<compile_context>
chip_gen: v7x
topology: tpu7x:2x2x1
jax: 0.10.2.dev20260603
libtpu: 0.0.44.dev20260713+nightly
codegen_flags: <defaults>
</compile_context>

<pallas_src>
import functools

import jax
import jax.numpy as jnp
from jax import lax
from jax.experimental import pallas as pl
from jax.experimental.pallas import tpu as pltpu
from jax.experimental.pallas import tpu_sc as plsc

N = 10000
E = 320000
D = 128
B = 8

NC = 2
NS = 16
NW = NC * NS
CH = 128

EB = 6400
NEB = E // EB

TRB = 624
TEX = N - NS * TRB
ZR = 104

RB = 2000
NRB = N // RB
RB1 = 2000
NRB1 = N // RB1


def _iota_oh(b):
    return (b[:, None] == lax.broadcasted_iota(jnp.int32, (1, B), 1)).astype(
        jnp.float32)


def _pre_body(x_ref, b3_ref, u_ref, wa_ref, wb_ref, wd_ref, be1_ref,
              p1_ref, p2_ref):
    x = x_ref[...]
    oh = _iota_oh(b3_ref[0, 0, :])
    u1 = jnp.dot(u_ref[...], wd_ref[...]) + be1_ref[...]
    p1_ref[...] = jnp.dot(x, wa_ref[...]) + jnp.dot(oh, u1)
    p2_ref[...] = jnp.dot(x, wb_ref[...])


def _precompute(x, batch3, u, wa, wb, wd, be1):
    return pl.pallas_call(
        _pre_body,
        grid=(NRB1,),
        in_specs=[
            pl.BlockSpec((RB1, D), lambda i: (i, 0)),
            pl.BlockSpec((1, 1, RB1), lambda i: (i, 0, 0)),
            pl.BlockSpec((B, D), lambda i: (0, 0)),
            pl.BlockSpec((D, D), lambda i: (0, 0)),
            pl.BlockSpec((D, D), lambda i: (0, 0)),
            pl.BlockSpec((D, D), lambda i: (0, 0)),
            pl.BlockSpec((D,), lambda i: (0,)),
        ],
        out_specs=[
            pl.BlockSpec((RB1, D), lambda i: (i, 0)),
            pl.BlockSpec((RB1, D), lambda i: (i, 0)),
        ],
        out_shape=[
            jax.ShapeDtypeStruct((N, D), jnp.float32),
            jax.ShapeDtypeStruct((N, D), jnp.float32),
        ],
    )(x, batch3, u, wa, wb, wd, be1)


def _sc_gather(p1, p2, srch, dsth, batchv, eh):
    ew = eh // NW
    nfull = ew // CH
    tail = ew - nfull * CH
    mesh = plsc.VectorSubcoreMesh(core_axis_name="c", subcore_axis_name="s",
                                  num_cores=NC, num_subcores=NS)

    @functools.partial(
        pl.kernel,
        out_type=(
            jax.ShapeDtypeStruct((eh, D), jnp.float32),
            jax.ShapeDtypeStruct((eh, D), jnp.float32),
            jax.ShapeDtypeStruct((eh,), jnp.int32),
        ),
        mesh=mesh,
        compiler_params=pltpu.CompilerParams(needs_layout_passes=False),
        scratch_types=[
            pltpu.VMEM((ew,), jnp.int32),
            pltpu.VMEM((ew,), jnp.int32),
            pltpu.VMEM((ew,), jnp.int32),
            pltpu.VMEM((N,), jnp.int32),
            pltpu.VMEM((2, CH, D), jnp.float32),
            pltpu.VMEM((2, CH, D), jnp.float32),
            pltpu.VMEM((max(tail, 8), D), jnp.float32),
            pltpu.VMEM((max(tail, 8), D), jnp.float32),
            pltpu.SemaphoreType.DMA,
            pltpu.SemaphoreType.DMA,
        ],
    )
    def k(p1_hbm, p2_hbm, src_hbm, dst_hbm, batch_hbm,
          gs_hbm, gd_hbm, bsrc_hbm,
          sidx_all, didx_all, bsrc_all, batch_v,
          rows_a, rows_b, rows_at, rows_bt, gsem, wsem):
        wid = lax.axis_index("s") * NC + lax.axis_index("c")
        wbase = wid * ew
        pltpu.sync_copy(src_hbm.at[pl.ds(wbase, ew)], sidx_all)
        pltpu.sync_copy(dst_hbm.at[pl.ds(wbase, ew)], didx_all)
        pltpu.sync_copy(batch_hbm, batch_v)

        def fire(j, buf):
            pltpu.async_copy(
                p1_hbm.at[sidx_all.at[pl.ds(j * CH, CH)]], rows_a.at[buf],
                gsem)
            pltpu.async_copy(
                p2_hbm.at[didx_all.at[pl.ds(j * CH, CH)]], rows_b.at[buf],
                gsem)

        fire(0, 0)

        def body(j, carry):
            p = j & 1
            q = 1 - p
            pltpu.make_async_copy(p1_hbm.at[sidx_all.at[pl.ds(0, CH)]],
                                  rows_a.at[p], gsem).wait()
            pltpu.make_async_copy(p1_hbm.at[sidx_all.at[pl.ds(0, CH)]],
                                  rows_b.at[p], gsem).wait()

            @pl.when(j >= 1)
            def _():
                pltpu.make_async_copy(rows_a.at[q],
                                      gs_hbm.at[pl.ds(0, CH)], wsem).wait()
                pltpu.make_async_copy(rows_b.at[q],
                                      gd_hbm.at[pl.ds(0, CH)], wsem).wait()

            @pl.when(j < nfull - 1)
            def _():
                fire(j + 1, q)

            for kk in range(CH // 16):
                off = pl.ds(j * CH + kk * 16, 16)
                bsrc_all[off] = plsc.load_gather(batch_v, [sidx_all[off]])
            pltpu.async_copy(rows_a.at[p],
                             gs_hbm.at[pl.ds(wbase + j * CH, CH)], wsem)
            pltpu.async_copy(rows_b.at[p],
                             gd_hbm.at[pl.ds(wbase + j * CH, CH)], wsem)
            return carry

        lax.fori_loop(0, nfull, body, 0)
        lastb = (nfull - 1) & 1
        pltpu.make_async_copy(rows_a.at[lastb],
                              gs_hbm.at[pl.ds(0, CH)], wsem).wait()
        pltpu.make_async_copy(rows_b.at[lastb],
                              gd_hbm.at[pl.ds(0, CH)], wsem).wait()

        if tail:
            tb = nfull * CH
            c1 = pltpu.async_copy(p1_hbm.at[sidx_all.at[pl.ds(tb, tail)]],
                                  rows_at, gsem)
            c2 = pltpu.async_copy(p2_hbm.at[didx_all.at[pl.ds(tb, tail)]],
                                  rows_bt, gsem)
            c1.wait()
            c2.wait()
            off = pl.ds(tb, tail)
            bsrc_all[off] = plsc.load_gather(batch_v, [sidx_all[off]])
            pltpu.sync_copy(rows_at, gs_hbm.at[pl.ds(wbase + tb, tail)])
            pltpu.sync_copy(rows_bt, gd_hbm.at[pl.ds(wbase + tb, tail)])
        pltpu.sync_copy(bsrc_all, bsrc_hbm.at[pl.ds(wbase, ew)])

    return k(p1, p2, srch, dsth, batchv)


def _edge_body(nblk, ea_ref, gs_ref, gd_ref, b3_ref, wc_ref, w2_ref, be2_ref,
               en_ref, eg_ref, acc_ref):
    i = pl.program_id(0)
    ea = ea_ref[...]
    h = jnp.maximum(gs_ref[...] + gd_ref[...] + jnp.dot(ea, wc_ref[...]), 0.0)
    en = ea + jnp.dot(h, w2_ref[...]) + be2_ref[...]
    en_ref[...] = en
    oh = _iota_oh(b3_ref[0, 0, :])

    @pl.when(i == 0)
    def _():
        acc_ref[...] = jnp.zeros_like(acc_ref)

    acc_ref[...] += lax.dot_general(oh, en, (((0,), (0,)), ((), ())))

    @pl.when(i == nblk - 1)
    def _():
        eg_ref[...] = acc_ref[...]


def _edge_mlp_half(edge_attr, gs, gd, bsrc3, wc, w2, be2, off_b, nblk,
                   en_prev=None):
    ebs = pl.BlockSpec((EB, D), lambda i: (i + off_b, 0))
    kwargs = {}
    ins = [edge_attr, gs, gd, bsrc3, wc, w2, be2]
    in_specs = [
        ebs,
        pl.BlockSpec((EB, D), lambda i: (i, 0)),
        pl.BlockSpec((EB, D), lambda i: (i, 0)),
        pl.BlockSpec((1, 1, EB), lambda i: (i, 0, 0)),
        pl.BlockSpec((D, D), lambda i: (0, 0)),
        pl.BlockSpec((D, D), lambda i: (0, 0)),
        pl.BlockSpec((D,), lambda i: (0,)),
    ]
    if en_prev is not None:
        ins.append(en_prev)
        in_specs.append(pl.BlockSpec(memory_space=pl.ANY))
        kwargs["input_output_aliases"] = {7: 0}

    def body(*refs):
        if en_prev is not None:
            refs = refs[:7] + refs[8:]
        _edge_body(nblk, *refs)

    return pl.pallas_call(
        body,
        grid=(nblk,),
        in_specs=in_specs,
        out_specs=[
            ebs,
            pl.BlockSpec((B, D), lambda i: (0, 0)),
        ],
        out_shape=[
            jax.ShapeDtypeStruct((E, D), jnp.float32),
            jax.ShapeDtypeStruct((B, D), jnp.float32),
        ],
        scratch_shapes=[pltpu.VMEM((B, D), jnp.float32)],
        **kwargs,
    )(*ins)


def _sc_scatter(e_new, dsth, eoff, eh):
    ew = eh // NW
    nfull = ew // CH
    tail = ew - nfull * CH
    mesh = plsc.VectorSubcoreMesh(core_axis_name="c", subcore_axis_name="s",
                                  num_cores=NC, num_subcores=NS)

    @functools.partial(
        pl.kernel,
        out_type=jax.ShapeDtypeStruct((NC * N, D), jnp.float32),
        mesh=mesh,
        compiler_params=pltpu.CompilerParams(needs_layout_passes=False),
        scratch_types=[
            pltpu.VMEM_SHARED((N, D), jnp.float32),
            pltpu.VMEM((2, CH), jnp.int32),
            pltpu.VMEM((2, CH, D), jnp.float32),
            pltpu.VMEM((max(tail, 8),), jnp.int32),
            pltpu.VMEM((max(tail, 8), D), jnp.float32),
            pltpu.VMEM((ZR, D), jnp.float32),
            pltpu.SemaphoreType.DMA,
            pltpu.SemaphoreType.DMA,
        ],
    )
    def k(en_hbm, dst_hbm, out_hbm,
          spmem, didx, rows, didx_t, rows_t, zbuf, isem, rsem):
        cid = lax.axis_index("c")
        sid = lax.axis_index("s")
        wid = sid * NC + cid

        def zb(r, carry):
            for kk in range(D // 16):
                zbuf[r, pl.ds(kk * 16, 16)] = jnp.zeros((16,), jnp.float32)
            return carry

        lax.fori_loop(0, ZR, zb, 0)
        tbase = sid * TRB
        for kk in range(TRB // ZR):
            pltpu.sync_copy(zbuf, spmem.at[pl.ds(tbase + kk * ZR, ZR)])

        @pl.when(sid == 0)
        def _():
            pltpu.sync_copy(zbuf.at[pl.ds(0, TEX)],
                            spmem.at[pl.ds(NS * TRB, TEX)])

        plsc.subcore_barrier()

        def fire(j, buf):
            base = wid * ew + j * CH
            pltpu.async_copy(dst_hbm.at[pl.ds(base, CH)], didx.at[buf], isem)
            pltpu.async_copy(en_hbm.at[pl.ds(eoff + base, CH)],
                             rows.at[buf], rsem)

        fire(0, 0)

        def body(j, carry):
            p = j & 1
            q = 1 - p
            pltpu.make_async_copy(dst_hbm.at[pl.ds(0, CH)],
                                  didx.at[p], isem).wait()
            pltpu.make_async_copy(en_hbm.at[pl.ds(0, CH)],
                                  rows.at[p], rsem).wait()

            @pl.when(j < nfull - 1)
            def _():
                fire(j + 1, q)

            pltpu.sync_copy(rows.at[p], spmem.at[didx.at[p]], add=True)
            return carry

        lax.fori_loop(0, nfull, body, 0)
        if tail:
            tb = wid * ew + nfull * CH
            pltpu.sync_copy(dst_hbm.at[pl.ds(tb, tail)], didx_t)
            pltpu.sync_copy(en_hbm.at[pl.ds(eoff + tb, tail)], rows_t)
            pltpu.sync_copy(rows_t, spmem.at[didx_t], add=True)
        plsc.subcore_barrier()
        pltpu.sync_copy(spmem.at[pl.ds(tbase, TRB)],
                        out_hbm.at[pl.ds(cid * N + tbase, TRB)])

        @pl.when(sid == 0)
        def _():
            pltpu.sync_copy(spmem.at[pl.ds(NS * TRB, TEX)],
                            out_hbm.at[pl.ds(cid * N + NS * TRB, TEX)])

    return k(e_new, dsth)


def _node_body(x_ref, a0_ref, a1_ref, b3_ref, u_ref, eg_ref,
               wna_ref, wnb_ref, wnc_ref, bn1_ref, wn2_ref, bn2_ref,
               wga_ref, wgb_ref, wgc_ref, bg1_ref, wg2_ref, bg2_ref,
               xn_ref, un_ref, acc_ref):
    i = pl.program_id(0)
    x = x_ref[...]
    agg = a0_ref[...] + a1_ref[...]
    oh = _iota_oh(b3_ref[0, 0, :])
    u = u_ref[...]
    u3 = jnp.dot(u, wnc_ref[...])
    h = jnp.maximum(
        jnp.dot(x, wna_ref[...]) + jnp.dot(agg, wnb_ref[...])
        + jnp.dot(oh, u3) + bn1_ref[...], 0.0)
    xn = x + jnp.dot(h, wn2_ref[...]) + bn2_ref[...]
    xn_ref[...] = xn

    @pl.when(i == 0)
    def _():
        acc_ref[...] = jnp.zeros_like(acc_ref)

    acc_ref[...] += lax.dot_general(oh, xn, (((0,), (0,)), ((), ())))

    @pl.when(i == NRB - 1)
    def _():
        ng = acc_ref[...]
        eg = eg_ref[...]
        g = jnp.maximum(
            jnp.dot(ng, wga_ref[...]) + jnp.dot(eg, wgb_ref[...])
            + jnp.dot(u, wgc_ref[...]) + bg1_ref[...], 0.0)
        un_ref[...] = u + jnp.dot(g, wg2_ref[...]) + bg2_ref[...]


def _node_global(x, aggp, batch3, u, eg,
                 wna, wnb, wnc, bn1, wn2, bn2,
                 wga, wgb, wgc, bg1, wg2, bg2):
    wspec = pl.BlockSpec((D, D), lambda i: (0, 0))
    bspec = pl.BlockSpec((D,), lambda i: (0,))
    uspec = pl.BlockSpec((B, D), lambda i: (0, 0))
    return pl.pallas_call(
        _node_body,
        grid=(NRB,),
        in_specs=[
            pl.BlockSpec((RB, D), lambda i: (i, 0)),
            pl.BlockSpec((RB, D), lambda i: (i, 0)),
            pl.BlockSpec((RB, D), lambda i: (i + NRB, 0)),
            pl.BlockSpec((1, 1, RB), lambda i: (i, 0, 0)),
            uspec, uspec,
            wspec, wspec, wspec, bspec, wspec, bspec,
            wspec, wspec, wspec, bspec, wspec, bspec,
        ],
        out_specs=[
            pl.BlockSpec((RB, D), lambda i: (i, 0)),
            pl.BlockSpec((B, D), lambda i: (0, 0)),
        ],
        out_shape=[
            jax.ShapeDtypeStruct((N, D), jnp.float32),
            jax.ShapeDtypeStruct((B, D), jnp.float32),
        ],
        scratch_shapes=[pltpu.VMEM((B, D), jnp.float32)],
    )(x, aggp, aggp, batch3, u, eg,
      wna, wnb, wnc, bn1, wn2, bn2,
      wga, wgb, wgc, bg1, wg2, bg2)


def kernel(x, edge_attr, u, edge_index, batch,
           We1, be1, We2, be2,
           Wn1, bn1, Wn2, bn2,
           Wg1, bg1, Wg2, bg2):
    src = edge_index[0].astype(jnp.int32)
    dst = edge_index[1].astype(jnp.int32)
    batch32 = batch.astype(jnp.int32)
    batch3 = batch32.reshape(NRB, 1, RB)

    p1, p2 = _precompute(x, batch32.reshape(NRB1, 1, RB1), u,
                         We1[:D], We1[D:2 * D], We1[3 * D:], be1)

    gs, gd, bsrc = _sc_gather(p1, p2, src, dst, batch32, E)
    e_new, eg = _edge_mlp_half(edge_attr, gs, gd,
                               bsrc.reshape(NEB, 1, EB),
                               We1[2 * D:3 * D], We2, be2, 0, NEB)
    aggp = _sc_scatter(e_new, dst, 0, E)

    x_new, u_new = _node_global(
        x, aggp, batch3, u, eg,
        Wn1[:D], Wn1[D:2 * D], Wn1[2 * D:], bn1, Wn2, bn2,
        Wg1[:D], Wg1[D:2 * D], Wg1[2 * D:], bg1, Wg2, bg2)
    return (x_new, e_new, u_new)

# --- scband reference (transcript-rebuilt; emitter-appended) ---
"""Pipeline reference for scband-graph-net-16569983828262 (READ-ONLY COPY).

The authoritative reference and input builder live on the scoring server;
editing this copy changes nothing except your own understanding.
"""

import jax, jax.numpy as jnp
import numpy as np

N = 10000
E = 320000
D = 128
B = 8

def _mlp(h, W1, b1, W2, b2):
    return jnp.dot(jax.nn.relu(jnp.dot(h, W1) + b1), W2) + b2

def setup_inputs(seed: int = 0) -> dict:
    key = jax.random.key(seed)
    ks = jax.random.split(key, 20)
    x = jax.random.normal(ks[0], (N, D), dtype=jnp.float32)
    edge_attr = jax.random.normal(ks[1], (E, D), dtype=jnp.float32)
    u = jax.random.normal(ks[2], (B, D), dtype=jnp.float32)
    edge_index = jax.random.randint(ks[3], (2, E), 0, N, dtype=jnp.int64) if jax.config.jax_enable_x64 else jax.random.randint(ks[3], (2, E), 0, N).astype(jnp.int32)
    batch = jnp.sort(jax.random.randint(ks[4], (N,), 0, B)).astype(jnp.int32)
    def lin(k, fan_in, fan_out):
        return jax.random.normal(k, (fan_in, fan_out), dtype=jnp.float32) / np.sqrt(fan_in)
    # edge model: input = [x_src, x_dst, edge_attr, u_global] -> 4D
    We1 = lin(ks[5], 4 * D, D); be1 = jnp.zeros((D,), jnp.float32)
    We2 = lin(ks[6], D, D);     be2 = jnp.zeros((D,), jnp.float32)
    # node model: input = [x, agg_edges, u_global] -> 3D
    Wn1 = lin(ks[7], 3 * D, D); bn1 = jnp.zeros((D,), jnp.float32)
    Wn2 = lin(ks[8], D, D);     bn2 = jnp.zeros((D,), jnp.float32)
    # global model: input = [node_agg, edge_agg, u] -> 3D
    Wg1 = lin(ks[9], 3 * D, D); bg1 = jnp.zeros((D,), jnp.float32)
    Wg2 = lin(ks[10], D, D);    bg2 = jnp.zeros((D,), jnp.float32)
    return {
        'x': x, 'edge_attr': edge_attr, 'u': u,
        'edge_index': edge_index, 'batch': batch,
        'We1': We1, 'be1': be1, 'We2': We2, 'be2': be2,
        'Wn1': Wn1, 'bn1': bn1, 'Wn2': Wn2, 'bn2': bn2,
        'Wg1': Wg1, 'bg1': bg1, 'Wg2': Wg2, 'bg2': bg2,
    }

def reference(x, edge_attr, u, edge_index, batch,
              We1, be1, We2, be2,
              Wn1, bn1, Wn2, bn2,
              Wg1, bg1, Wg2, bg2):
    src = edge_index[0]
    dst = edge_index[1]
    # _update_edges: residual edge update with global features gathered via batch[src]
    e_in = jnp.concatenate([x[src], x[dst], edge_attr, u[batch[src]]], axis=1)
    e_new = edge_attr + _mlp(e_in, We1, be1, We2, be2)
    # _update_nodes: sum-aggregate incoming edges per dst node, residual node update
    agg = jax.ops.segment_sum(e_new, dst, num_segments=N)
    n_in = jnp.concatenate([x, agg, u[batch]], axis=1)
    x_new = x + _mlp(n_in, Wn1, bn1, Wn2, bn2)
    # _update_global: aggregate edges by graph of src node, nodes by graph, residual u update
    edge_g = jax.ops.segment_sum(e_new, batch[src], num_segments=B)
    node_g = jax.ops.segment_sum(x_new, batch, num_segments=B)
    g_in = jnp.concatenate([node_g, edge_g, u], axis=1)
    u_new = u + _mlp(g_in, Wg1, bg1, Wg2, bg2)
    return (x_new, e_new, u_new)

if __name__ == "__main__":
    import jax
    _d = setup_inputs()
    print(jax.jit(kernel)(*tuple(_d.values())))

</pallas_src>

<mosaic_0001>
#map = affine_map<(d0, d1) -> (0, 0)>
#map1 = affine_map<(d0, d1) -> (0)>
module attributes {stable_mosaic.version = 14 : i64} {
  func.func @k(%arg0: i32, %arg1: i32, %arg2: memref<320000x128xf32, #tpu.memory_space<hbm>>, %arg3: memref<320000xi32, #tpu.memory_space<hbm>>, %arg4: memref<20000x128xf32, #tpu.memory_space<hbm>>, %arg5: memref<10000x128xf32, #tpu.memory_space<vmem_shared>>, %arg6: memref<2x128xi32, #tpu.memory_space<vmem>>, %arg7: memref<2x128x128xf32, #tpu.memory_space<vmem>>, %arg8: memref<16xi32, #tpu.memory_space<vmem>>, %arg9: memref<16x128xf32, #tpu.memory_space<vmem>>, %arg10: memref<104x128xf32, #tpu.memory_space<vmem>>, %arg11: memref<!tpu.dma_semaphore, #tpu.memory_space<semaphore_mem>>, %arg12: memref<!tpu.dma_semaphore, #tpu.memory_space<semaphore_mem>>) attributes {dimension_semantics = [#tpu.dimension_semantics<core_parallel>, #tpu.dimension_semantics<subcore_parallel>], iteration_bounds = array<i64: 2, 16>, scalar_prefetch = 0 : i64, scratch_operands = 8 : i64, tpu.core_type = #tpu.core_type<sc_vector_subcore>, window_params = [{transform_indices = #map}, {transform_indices = #map1}, {transform_indices = #map}]} {
    %mul3A = arith.constant 2 : i32
    %mul3A_0 = arith.muli %arg1, %mul3A : i32
    %add3A = arith.addi %mul3A_0, %arg0 : i32
    %scan3A = arith.constant 0 : i32
    %scan3A_1 = arith.constant 0 : i32
    %scan3A_2 = arith.constant 104 : i32
    %scan3A_3 = arith.addi %scan3A_1, %scan3A_2 : i32
    %scan3A_4 = arith.constant 1 : i32
    scf.for %scan3A_70 = %scan3A_1 to %scan3A_3 step %scan3A_4  : i32 {
      %broadcast_in_dim3A = arith.constant 0.000000e+00 : f32
      %broadcast_in_dim3A_71 = vector.broadcast %broadcast_in_dim3A : f32 to vector<16xf32>
      %swap3A = arith.index_cast %scan3A_70 : i32 to index
      %swap3A_72 = arith.constant 0 : index
      %swap3A_73 = tpu.vector_load %arg10[%swap3A, %swap3A_72] {strides = array<i32>} : memref<104x128xf32, #tpu.memory_space<vmem>>, vector<16xf32>,
      tpu.vector_store %arg10[%swap3A, %swap3A_72], %broadcast_in_dim3A_71 {strides = array<i32>} : memref<104x128xf32, #tpu.memory_space<vmem>>, vector<16xf32>,
      %broadcast_in_dim3A_74 = arith.constant 0.000000e+00 : f32
      %broadcast_in_dim3A_75 = vector.broadcast %broadcast_in_dim3A_74 : f32 to vector<16xf32>
      %swap3A_76 = arith.index_cast %scan3A_70 : i32 to index
      %swap3A_77 = arith.constant 16 : index
      %swap3A_78 = tpu.vector_load %arg10[%swap3A_76, %swap3A_77] {strides = array<i32>} : memref<104x128xf32, #tpu.memory_space<vmem>>, vector<16xf32>,
      tpu.vector_store %arg10[%swap3A_76, %swap3A_77], %broadcast_in_dim3A_75 {strides = array<i32>} : memref<104x128xf32, #tpu.memory_space<vmem>>, vector<16xf32>,
      %broadcast_in_dim3A_79 = arith.constant 0.000000e+00 : f32
      %broadcast_in_dim3A_80 = vector.broadcast %broadcast_in_dim3A_79 : f32 to vector<16xf32>
      %swap3A_81 = arith.index_cast %scan3A_70 : i32 to index
      %swap3A_82 = arith.constant 32 : index
      %swap3A_83 = tpu.vector_load %arg10[%swap3A_81, %swap3A_82] {strides = array<i32>} : memref<104x128xf32, #tpu.memory_space<vmem>>, vector<16xf32>,
      tpu.vector_store %arg10[%swap3A_81, %swap3A_82], %broadcast_in_dim3A_80 {strides = array<i32>} : memref<104x128xf32, #tpu.memory_space<vmem>>, vector<16xf32>,
      %broadcast_in_dim3A_84 = arith.constant 0.000000e+00 : f32
      %broadcast_in_dim3A_85 = vector.broadcast %broadcast_in_dim3A_84 : f32 to vector<16xf32>
      %swap3A_86 = arith.index_cast %scan3A_70 : i32 to index
      %swap3A_87 = arith.constant 48 : index
      %swap3A_88 = tpu.vector_load %arg10[%swap3A_86, %swap3A_87] {strides = array<i32>} : memref<104x128xf32, #tpu.memory_space<vmem>>, vector<16xf32>,
      tpu.vector_store %arg10[%swap3A_86, %swap3A_87], %broadcast_in_dim3A_85 {strides = array<i32>} : memref<104x128xf32, #tpu.memory_space<vmem>>, vector<16xf32>,
      %broadcast_in_dim3A_89 = arith.constant 0.000000e+00 : f32
      %broadcast_in_dim3A_90 = vector.broadcast %broadcast_in_dim3A_89 : f32 to vector<16xf32>
      %swap3A_91 = arith.index_cast %scan3A_70 : i32 to index
      %swap3A_92 = arith.constant 64 : index
      %swap3A_93 = tpu.vector_load %arg10[%swap3A_91, %swap3A_92] {strides = array<i32>} : memref<104x128xf32, #tpu.memory_space<vmem>>, vector<16xf32>,
      tpu.vector_store %arg10[%swap3A_91, %swap3A_92], %broadcast_in_dim3A_90 {strides = array<i32>} : memref<104x128xf32, #tpu.memory_space<vmem>>, vector<16xf32>,
      %broadcast_in_dim3A_94 = arith.constant 0.000000e+00 : f32
      %broadcast_in_dim3A_95 = vector.broadcast %broadcast_in_dim3A_94 : f32 to vector<16xf32>
      %swap3A_96 = arith.index_cast %scan3A_70 : i32 to index
      %swap3A_97 = arith.constant 80 : index
      %swap3A_98 = tpu.vector_load %arg10[%swap3A_96, %swap3A_97] {strides = array<i32>} : memref<104x128xf32, #tpu.memory_space<vmem>>, vector<16xf32>,
      tpu.vector_store %arg10[%swap3A_96, %swap3A_97], %broadcast_in_dim3A_95 {strides = array<i32>} : memref<104x128xf32, #tpu.memory_space<vmem>>, vector<16xf32>,
      %broadcast_in_dim3A_99 = arith.constant 0.000000e+00 : f32
      %broadcast_in_dim3A_100 = vector.broadcast %broadcast_in_dim3A_99 : f32 to vector<16xf32>
      %swap3A_101 = arith.index_cast %scan3A_70 : i32 to index
      %swap3A_102 = arith.constant 96 : index
      %swap3A_103 = tpu.vector_load %arg10[%swap3A_101, %swap3A_102] {strides = array<i32>} : memref<104x128xf32, #tpu.memory_space<vmem>>, vector<16xf32>,
      tpu.vector_store %arg10[%swap3A_101, %swap3A_102], %broadcast_in_dim3A_100 {strides = array<i32>} : memref<104x128xf32, #tpu.memory_space<vmem>>, vector<16xf32>,
      %broadcast_in_dim3A_104 = arith.constant 0.000000e+00 : f32
      %broadcast_in_dim3A_105 = vector.broadcast %broadcast_in_dim3A_104 : f32 to vector<16xf32>
      %swap3A_106 = arith.index_cast %scan3A_70 : i32 to index
      %swap3A_107 = arith.constant 112 : index
      %swap3A_108 = tpu.vector_load %arg10[%swap3A_106, %swap3A_107] {strides = array<i32>} : memref<104x128xf32, #tpu.memory_space<vmem>>, vector<16xf32>,
      tpu.vector_store %arg10[%swap3A_106, %swap3A_107], %broadcast_in_dim3A_105 {strides = array<i32>} : memref<104x128xf32, #tpu.memory_space<vmem>>, vector<16xf32>,
    }
    %scan3A_5 = arith.constant 104 : i32
    %mul3A_6 = arith.constant 624 : i32
    %mul3A_7 = arith.muli %arg1, %mul3A_6 : i32
    %add3A_8 = arith.constant 0 : i32
    %add3A_9 = arith.addi %mul3A_7, %add3A_8 : i32
    "tpu.region"() ({
      %run_scoped3A = tpu.sem_alloc : memref<!tpu.dma_semaphore, #tpu.memory_space<semaphore_mem>>
      %dma_start3A_70 = arith.constant 0 : i32
      %dma_start3A_71 = tpu.memref_slice %arg5[%add3A_9, %dma_start3A_70] : memref<10000x128xf32, #tpu.memory_space<vmem_shared>> -> memref<104x128xf32, #tpu.memory_space<vmem_shared>>
      %dma_start3A_72 = arith.constant 0 : i32
      %dma_start3A_73 = tpu.memref_slice %arg5[%add3A_9, %dma_start3A_72] : memref<10000x128xf32, #tpu.memory_space<vmem_shared>> -> memref<104x128xf32, #tpu.memory_space<vmem_shared>>
      tpu.enqueue_dma source(%arg10 : memref<104x128xf32, #tpu.memory_space<vmem>>) target(%dma_start3A_73 : memref<104x128xf32, #tpu.memory_space<vmem_shared>>) target_semaphore(%run_scoped3A : memref<!tpu.dma_semaphore, #tpu.memory_space<semaphore_mem>>)
      %dma_wait3A = arith.constant 0 : i32
      %dma_wait3A_74 = tpu.memref_slice %arg5[%add3A_9, %dma_wait3A] : memref<10000x128xf32, #tpu.memory_space<vmem_shared>> -> memref<104x128xf32, #tpu.memory_space<vmem_shared>>
      %dma_wait3A_75 = arith.constant 0 : i32
      %dma_wait3A_76 = tpu.memref_slice %arg5[%add3A_9, %dma_wait3A_75] : memref<10000x128xf32, #tpu.memory_space<vmem_shared>> -> memref<104x128xf32, #tpu.memory_space<vmem_shared>>
      tpu.wait_dma2 semaphore(%run_scoped3A : memref<!tpu.dma_semaphore, #tpu.memory_space<semaphore_mem>>) src(%arg10 : memref<104x128xf32, #tpu.memory_space<vmem>>) dst(%dma_wait3A_76 : memref<104x128xf32, #tpu.memory_space<vmem_shared>>)
      tpu.yield
    }) : () -> ()
    %add3A_10 = arith.constant 104 : i32
    %add3A_11 = arith.addi %mul3A_7, %add3A_10 : i32
    "tpu.region"() ({
      %run_scoped3A = tpu.sem_alloc : memref<!tpu.dma_semaphore, #tpu.memory_space<semaphore_mem>>
      %dma_start3A_70 = arith.constant 0 : i32
      %dma_start3A_71 = tpu.memref_slice %arg5[%add3A_11, %dma_start3A_70] : memref<10000x128xf32, #tpu.memory_space<vmem_shared>> -> memref<104x128xf32, #tpu.memory_space<vmem_shared>>
      %dma_start3A_72 = arith.constant 0 : i32
      %dma_start3A_73 = tpu.memref_slice %arg5[%add3A_11, %dma_start3A_72] : memref<10000x128xf32, #tpu.memory_space<vmem_shared>> -> memref<104x128xf32, #tpu.memory_space<vmem_shared>>
      tpu.enqueue_dma source(%arg10 : memref<104x128xf32, #tpu.memory_space<vmem>>) target(%dma_start3A_73 : memref<104x128xf32, #tpu.memory_space<vmem_shared>>) target_semaphore(%run_scoped3A : memref<!tpu.dma_semaphore, #tpu.memory_space<semaphore_mem>>)
      %dma_wait3A = arith.constant 0 : i32
      %dma_wait3A_74 = tpu.memref_slice %arg5[%add3A_11, %dma_wait3A] : memref<10000x128xf32, #tpu.memory_space<vmem_shared>> -> memref<104x128xf32, #tpu.memory_space<vmem_shared>>
      %dma_wait3A_75 = arith.constant 0 : i32
      %dma_wait3A_76 = tpu.memref_slice %arg5[%add3A_11, %dma_wait3A_75] : memref<10000x128xf32, #tpu.memory_space<vmem_shared>> -> memref<104x128xf32, #tpu.memory_space<vmem_shared>>
      tpu.wait_dma2 semaphore(%run_scoped3A : memref<!tpu.dma_semaphore, #tpu.memory_space<semaphore_mem>>) src(%arg10 : memref<104x128xf32, #tpu.memory_space<vmem>>) dst(%dma_wait3A_76 : memref<104x128xf32, #tpu.memory_space<vmem_shared>>)
      tpu.yield
    }) : () -> ()
    %add3A_12 = arith.constant 208 : i32
    %add3A_13 = arith.addi %mul3A_7, %add3A_12 : i32
    "tpu.region"() ({
      %run_scoped3A = tpu.sem_alloc : memref<!tpu.dma_semaphore, #tpu.memory_space<semaphore_mem>>
      %dma_start3A_70 = arith.constant 0 : i32
      %dma_start3A_71 = tpu.memref_slice %arg5[%add3A_13, %dma_start3A_70] : memref<10000x128xf32, #tpu.memory_space<vmem_shared>> -> memref<104x128xf32, #tpu.memory_space<vmem_shared>>
      %dma_start3A_72 = arith.constant 0 : i32
      %dma_start3A_73 = tpu.memref_slice %arg5[%add3A_13, %dma_start3A_72] : memref<10000x128xf32, #tpu.memory_space<vmem_shared>> -> memref<104x128xf32, #tpu.memory_space<vmem_shared>>
      tpu.enqueue_dma source(%arg10 : memref<104x128xf32, #tpu.memory_space<vmem>>) target(%dma_start3A_73 : memref<104x128xf32, #tpu.memory_space<vmem_shared>>) target_semaphore(%run_scoped3A : memref<!tpu.dma_semaphore, #tpu.memory_space<semaphore_mem>>)
      %dma_wait3A = arith.constant 0 : i32
      %dma_wait3A_74 = tpu.memref_slice %arg5[%add3A_13, %dma_wait3A] : memref<10000x128xf32, #tpu.memory_space<vmem_shared>> -> memref<104x128xf32, #tpu.memory_space<vmem_shared>>
      %dma_wait3A_75 = arith.constant 0 : i32
      %dma_wait3A_76 = tpu.memref_slice %arg5[%add3A_13, %dma_wait3A_75] : memref<10000x128xf32, #tpu.memory_space<vmem_shared>> -> memref<104x128xf32, #tpu.memory_space<vmem_shared>>
      tpu.wait_dma2 semaphore(%run_scoped3A : memref<!tpu.dma_semaphore, #tpu.memory_space<semaphore_mem>>) src(%arg10 : memref<104x128xf32, #tpu.memory_space<vmem>>) dst(%dma_wait3A_76 : memref<104x128xf32, #tpu.memory_space<vmem_shared>>)
      tpu.yield
    }) : () -> ()
    %add3A_14 = arith.constant 312 : i32
    %add3A_15 = arith.addi %mul3A_7, %add3A_14 : i32
    "tpu.region"() ({
      %run_scoped3A = tpu.sem_alloc : memref<!tpu.dma_semaphore, #tpu.memory_space<semaphore_mem>>
      %dma_start3A_70 = arith.constant 0 : i32
      %dma_start3A_71 = tpu.memref_slice %arg5[%add3A_15, %dma_start3A_70] : memref<10000x128xf32, #tpu.memory_space<vmem_shared>> -> memref<104x128xf32, #tpu.memory_space<vmem_shared>>
      %dma_start3A_72 = arith.constant 0 : i32
      %dma_start3A_73 = tpu.memref_slice %arg5[%add3A_15, %dma_start3A_72] : memref<10000x128xf32, #tpu.memory_space<vmem_shared>> -> memref<104x128xf32, #tpu.memory_space<vmem_shared>>
      tpu.enqueue_dma source(%arg10 : memref<104x128xf32, #tpu.memory_space<vmem>>) target(%dma_start3A_73 : memref<104x128xf32, #tpu.memory_space<vmem_shared>>) target_semaphore(%run_scoped3A : memref<!tpu.dma_semaphore, #tpu.memory_space<semaphore_mem>>)
      %dma_wait3A = arith.constant 0 : i32
      %dma_wait3A_74 = tpu.memref_slice %arg5[%add3A_15, %dma_wait3A] : memref<10000x128xf32, #tpu.memory_space<vmem_shared>> -> memref<104x128xf32, #tpu.memory_space<vmem_shared>>
      %dma_wait3A_75 = arith.constant 0 : i32
      %dma_wait3A_76 = tpu.memref_slice %arg5[%add3A_15, %dma_wait3A_75] : memref<10000x128xf32, #tpu.memory_space<vmem_shared>> -> memref<104x128xf32, #tpu.memory_space<vmem_shared>>
      tpu.wait_dma2 semaphore(%run_scoped3A : memref<!tpu.dma_semaphore, #tpu.memory_space<semaphore_mem>>) src(%arg10 : memref<104x128xf32, #tpu.memory_space<vmem>>) dst(%dma_wait3A_76 : memref<104x128xf32, #tpu.memory_space<vmem_shared>>)
      tpu.yield
    }) : () -> ()
    %add3A_16 = arith.constant 416 : i32
    %add3A_17 = arith.addi %mul3A_7, %add3A_16 : i32
    "tpu.region"() ({
      %run_scoped3A = tpu.sem_alloc : memref<!tpu.dma_semaphore, #tpu.memory_space<semaphore_mem>>
      %dma_start3A_70 = arith.constant 0 : i32
      %dma_start3A_71 = tpu.memref_slice %arg5[%add3A_17, %dma_start3A_70] : memref<10000x128xf32, #tpu.memory_space<vmem_shared>> -> memref<104x128xf32, #tpu.memory_space<vmem_shared>>
      %dma_start3A_72 = arith.constant 0 : i32
      %dma_start3A_73 = tpu.memref_slice %arg5[%add3A_17, %dma_start3A_72] : memref<10000x128xf32, #tpu.memory_space<vmem_shared>> -> memref<104x128xf32, #tpu.memory_space<vmem_shared>>
      tpu.enqueue_dma source(%arg10 : memref<104x128xf32, #tpu.memory_space<vmem>>) target(%dma_start3A_73 : memref<104x128xf32, #tpu.memory_space<vmem_shared>>) target_semaphore(%run_scoped3A : memref<!tpu.dma_semaphore, #tpu.memory_space<semaphore_mem>>)
      %dma_wait3A = arith.constant 0 : i32
      %dma_wait3A_74 = tpu.memref_slice %arg5[%add3A_17, %dma_wait3A] : memref<10000x128xf32, #tpu.memory_space<vmem_shared>> -> memref<104x128xf32, #tpu.memory_space<vmem_shared>>
      %dma_wait3A_75 = arith.constant 0 : i32
      %dma_wait3A_76 = tpu.memref_slice %arg5[%add3A_17, %dma_wait3A_75] : memref<10000x128xf32, #tpu.memory_space<vmem_shared>> -> memref<104x128xf32, #tpu.memory_space<vmem_shared>>
      tpu.wait_dma2 semaphore(%run_scoped3A : memref<!tpu.dma_semaphore, #tpu.memory_space<semaphore_mem>>) src(%arg10 : memref<104x128xf32, #tpu.memory_space<vmem>>) dst(%dma_wait3A_76 : memref<104x128xf32, #tpu.memory_space<vmem_shared>>)
      tpu.yield
    }) : () -> ()
    %add3A_18 = arith.constant 520 : i32
    %add3A_19 = arith.addi %mul3A_7, %add3A_18 : i32
    "tpu.region"() ({
      %run_scoped3A = tpu.sem_alloc : memref<!tpu.dma_semaphore, #tpu.memory_space<semaphore_mem>>
      %dma_start3A_70 = arith.constant 0 : i32
      %dma_start3A_71 = tpu.memref_slice %arg5[%add3A_19, %dma_start3A_70] : memref<10000x128xf32, #tpu.memory_space<vmem_shared>> -> memref<104x128xf32, #tpu.memory_space<vmem_shared>>
      %dma_start3A_72 = arith.constant 0 : i32
      %dma_start3A_73 = tpu.memref_slice %arg5[%add3A_19, %dma_start3A_72] : memref<10000x128xf32, #tpu.memory_space<vmem_shared>> -> memref<104x128xf32, #tpu.memory_space<vmem_shared>>
      tpu.enqueue_dma source(%arg10 : memref<104x128xf32, #tpu.memory_space<vmem>>) target(%dma_start3A_73 : memref<104x128xf32, #tpu.memory_space<vmem_shared>>) target_semaphore(%run_scoped3A : memref<!tpu.dma_semaphore, #tpu.memory_space<semaphore_mem>>)
      %dma_wait3A = arith.constant 0 : i32
      %dma_wait3A_74 = tpu.memref_slice %arg5[%add3A_19, %dma_wait3A] : memref<10000x128xf32, #tpu.memory_space<vmem_shared>> -> memref<104x128xf32, #tpu.memory_space<vmem_shared>>
      %dma_wait3A_75 = arith.constant 0 : i32
      %dma_wait3A_76 = tpu.memref_slice %arg5[%add3A_19, %dma_wait3A_75] : memref<10000x128xf32, #tpu.memory_space<vmem_shared>> -> memref<104x128xf32, #tpu.memory_space<vmem_shared>>
      tpu.wait_dma2 semaphore(%run_scoped3A : memref<!tpu.dma_semaphore, #tpu.memory_space<semaphore_mem>>) src(%arg10 : memref<104x128xf32, #tpu.memory_space<vmem>>) dst(%dma_wait3A_76 : memref<104x128xf32, #tpu.memory_space<vmem_shared>>)
      tpu.yield
    }) : () -> ()
    %eq3A = arith.constant 0 : i32
    %eq3A_20 = arith.cmpi eq, %arg1, %eq3A : i32
    %convert_element_type3A = arith.extui %eq3A_20 : i1 to i32
    %cond3A = arith.constant 0 : i32
    %cond3A_21 = arith.cmpi ne, %convert_element_type3A, %cond3A : i32
    scf.if %cond3A_21 {
      "tpu.region"() ({
        %run_scoped3A = tpu.sem_alloc : memref<!tpu.dma_semaphore, #tpu.memory_space<semaphore_mem>>
        %dma_start3A_70 = arith.constant 0 : i32
        %dma_start3A_71 = arith.constant 0 : i32
        %dma_start3A_72 = tpu.memref_slice %arg10[%dma_start3A_70, %dma_start3A_71] : memref<104x128xf32, #tpu.memory_space<vmem>> -> memref<16x128xf32, #tpu.memory_space<vmem>>
        %dma_start3A_73 = arith.constant 9984 : i32
        %dma_start3A_74 = arith.constant 0 : i32
        %dma_start3A_75 = tpu.memref_slice %arg5[%dma_start3A_73, %dma_start3A_74] : memref<10000x128xf32, #tpu.memory_space<vmem_shared>> -> memref<16x128xf32, #tpu.memory_space<vmem_shared>>
        %dma_start3A_76 = arith.constant 9984 : i32
        %dma_start3A_77 = arith.constant 0 : i32
        %dma_start3A_78 = tpu.memref_slice %arg5[%dma_start3A_76, %dma_start3A_77] : memref<10000x128xf32, #tpu.memory_space<vmem_shared>> -> memref<16x128xf32, #tpu.memory_space<vmem_shared>>
        %dma_start3A_79 = arith.constant 0 : i32
        %dma_start3A_80 = arith.constant 0 : i32
        %dma_start3A_81 = tpu.memref_slice %arg10[%dma_start3A_79, %dma_start3A_80] : memref<104x128xf32, #tpu.memory_space<vmem>> -> memref<16x128xf32, #tpu.memory_space<vmem>>
        tpu.enqueue_dma source(%dma_start3A_81 : memref<16x128xf32, #tpu.memory_space<vmem>>) target(%dma_start3A_78 : memref<16x128xf32, #tpu.memory_space<vmem_shared>>) target_semaphore(%run_scoped3A : memref<!tpu.dma_semaphore, #tpu.memory_space<semaphore_mem>>)
        %dma_wait3A = arith.constant 0 : i32
        %dma_wait3A_82 = arith.constant 0 : i32
        %dma_wait3A_83 = tpu.memref_slice %arg10[%dma_wait3A, %dma_wait3A_82] : memref<104x128xf32, #tpu.memory_space<vmem>> -> memref<16x128xf32, #tpu.memory_space<vmem>>
        %dma_wait3A_84 = arith.constant 9984 : i32
        %dma_wait3A_85 = arith.constant 0 : i32
        %dma_wait3A_86 = tpu.memref_slice %arg5[%dma_wait3A_84, %dma_wait3A_85] : memref<10000x128xf32, #tpu.memory_space<vmem_shared>> -> memref<16x128xf32, #tpu.memory_space<vmem_shared>>
        %dma_wait3A_87 = arith.constant 9984 : i32
        %dma_wait3A_88 = arith.constant 0 : i32
        %dma_wait3A_89 = tpu.memref_slice %arg5[%dma_wait3A_87, %dma_wait3A_88] : memref<10000x128xf32, #tpu.memory_space<vmem_shared>> -> memref<16x128xf32, #tpu.memory_space<vmem_shared>>
        %dma_wait3A_90 = arith.constant 0 : i32
        %dma_wait3A_91 = arith.constant 0 : i32
        %dma_wait3A_92 = tpu.memref_slice %arg10[%dma_wait3A_90, %dma_wait3A_91] : memref<104x128xf32, #tpu.memory_space<vmem>> -> memref<16x128xf32, #tpu.memory_space<vmem>>
        tpu.wait_dma2 semaphore(%run_scoped3A : memref<!tpu.dma_semaphore, #tpu.memory_space<semaphore_mem>>) src(%dma_wait3A_92 : memref<16x128xf32, #tpu.memory_space<vmem>>) dst(%dma_wait3A_89 : memref<16x128xf32, #tpu.memory_space<vmem_shared>>)
        tpu.yield
      }) : () -> ()
    } else {
    }
    %barrier3A = arith.constant 0 : index
    tpu.barrier barrier_id(%barrier3A)
    %mul3A_22 = arith.constant 10000 : i32
    %mul3A_23 = arith.muli %add3A, %mul3A_22 : i32
    %add3A_24 = arith.constant 0 : i32
    %add3A_25 = arith.addi %mul3A_23, %add3A_24 : i32
    %dma_start3A = arith.constant 0 : i32
    %dma_start3A_26 = arith.constant 0 : i32
    %dma_start3A_27 = tpu.memref_slice %arg6[%dma_start3A, %dma_start3A_26] : memref<2x128xi32, #tpu.memory_space<vmem>> -> memref<1x128xi32, #tpu.memory_space<vmem>>
    %dma_start3A_28 = tpu.memref_squeeze %dma_start3A_27 : memref<1x128xi32, #tpu.memory_space<vmem>> -> memref<128xi32, #tpu.memory_space<vmem>>
    %dma_start3A_29 = tpu.memref_slice %arg3[%add3A_25] : memref<320000xi32, #tpu.memory_space<hbm>> -> memref<128xi32, #tpu.memory_space<hbm>>
    %dma_start3A_30 = arith.constant 0 : i32
    %dma_start3A_31 = tpu.memref_slice %arg6[%dma_start3A, %dma_start3A_30] : memref<2x128xi32, #tpu.memory_space<vmem>> -> memref<1x128xi32, #tpu.memory_space<vmem>>
    %dma_start3A_32 = tpu.memref_squeeze %dma_start3A_31 : memref<1x128xi32, #tpu.memory_space<vmem>> -> memref<128xi32, #tpu.memory_space<vmem>>
    %dma_start3A_33 = tpu.memref_slice %arg3[%add3A_25] : memref<320000xi32, #tpu.memory_space<hbm>> -> memref<128xi32, #tpu.memory_space<hbm>>
    tpu.enqueue_dma source(%dma_start3A_33 : memref<128xi32, #tpu.memory_space<hbm>>) target(%dma_start3A_32 : memref<128xi32, #tpu.memory_space<vmem>>) target_semaphore(%arg11 : memref<!tpu.dma_semaphore, #tpu.memory_space<semaphore_mem>>)
    %add3A_34 = arith.constant 0 : i32
    %add3A_35 = arith.addi %add3A_34, %add3A_25 : i32
    %dma_start3A_36 = arith.constant 0 : i32
    %dma_start3A_37 = arith.constant 0 : i32
    %dma_start3A_38 = arith.constant 0 : i32
    %dma_start3A_39 = tpu.memref_slice %arg7[%dma_start3A_36, %dma_start3A_37, %dma_start3A_38] : memref<2x128x128xf32, #tpu.memory_space<vmem>> -> memref<1x128x128xf32, #tpu.memory_space<vmem>>
    %dma_start3A_40 = tpu.memref_squeeze %dma_start3A_39 : memref<1x128x128xf32, #tpu.memory_space<vmem>> -> memref<128x128xf32, #tpu.memory_space<vmem>>
    %dma_start3A_41 = arith.constant 0 : i32
    %dma_start3A_42 = tpu.memref_slice %arg2[%add3A_35, %dma_start3A_41] : memref<320000x128xf32, #tpu.memory_space<hbm>> -> memref<128x128xf32, #tpu.memory_space<hbm>>
    %dma_start3A_43 = arith.constant 0 : i32
    %dma_start3A_44 = arith.constant 0 : i32
    %dma_start3A_45 = tpu.memref_slice %arg7[%dma_start3A_36, %dma_start3A_43, %dma_start3A_44] : memref<2x128x128xf32, #tpu.memory_space<vmem>> -> memref<1x128x128xf32, #tpu.memory_space<vmem>>
    %dma_start3A_46 = tpu.memref_squeeze %dma_start3A_45 : memref<1x128x128xf32, #tpu.memory_space<vmem>> -> memref<128x128xf32, #tpu.memory_space<vmem>>
    %dma_start3A_47 = arith.constant 0 : i32
    %dma_start3A_48 = tpu.memref_slice %arg2[%add3A_35, %dma_start3A_47] : memref<320000x128xf32, #tpu.memory_space<hbm>> -> memref<128x128xf32, #tpu.memory_space<hbm>>
    tpu.enqueue_dma source(%dma_start3A_48 : memref<128x128xf32, #tpu.memory_space<hbm>>) target(%dma_start3A_46 : memref<128x128xf32, #tpu.memory_space<vmem>>) target_semaphore(%arg12 : memref<!tpu.dma_semaphore, #tpu.memory_space<semaphore_mem>>)
    %scan3A_49 = arith.constant 0 : i32
    %scan3A_50 = arith.constant 0 : i32
    %scan3A_51 = arith.constant 78 : i32
    %scan3A_52 = arith.addi %scan3A_50, %scan3A_51 : i32
    %scan3A_53 = arith.constant 1 : i32
    scf.for %scan3A_70 = %scan3A_50 to %scan3A_52 step %scan3A_53  : i32 {
      %and3A = arith.constant 1 : i32
      %and3A_71 = arith.andi %scan3A_70, %and3A : i32
      %sub3A = arith.constant 1 : i32
      %sub3A_72 = arith.subi %sub3A, %and3A_71 : i32
      %dma_wait3A = arith.constant 0 : i32
      %dma_wait3A_73 = tpu.memref_slice %arg6[%and3A_71, %dma_wait3A] : memref<2x128xi32, #tpu.memory_space<vmem>> -> memref<1x128xi32, #tpu.memory_space<vmem>>
      %dma_wait3A_74 = tpu.memref_squeeze %dma_wait3A_73 : memref<1x128xi32, #tpu.memory_space<vmem>> -> memref<128xi32, #tpu.memory_space<vmem>>
      %dma_wait3A_75 = arith.constant 0 : i32
      %dma_wait3A_76 = tpu.memref_slice %arg3[%dma_wait3A_75] : memref<320000xi32, #tpu.memory_space<hbm>> -> memref<128xi32, #tpu.memory_space<hbm>>
      %dma_wait3A_77 = arith.constant 0 : i32
      %dma_wait3A_78 = tpu.memref_slice %arg6[%and3A_71, %dma_wait3A_77] : memref<2x128xi32, #tpu.memory_space<vmem>> -> memref<1x128xi32, #tpu.memory_space<vmem>>
      %dma_wait3A_79 = tpu.memref_squeeze %dma_wait3A_78 : memref<1x128xi32, #tpu.memory_space<vmem>> -> memref<128xi32, #tpu.memory_space<vmem>>
      %dma_wait3A_80 = arith.constant 0 : i32
      %dma_wait3A_81 = tpu.memref_slice %arg3[%dma_wait3A_80] : memref<320000xi32, #tpu.memory_space<hbm>> -> memref<128xi32, #tpu.memory_space<hbm>>
      tpu.wait_dma2 semaphore(%arg11 : memref<!tpu.dma_semaphore, #tpu.memory_space<semaphore_mem>>) src(%dma_wait3A_81 : memref<128xi32, #tpu.memory_space<hbm>>) dst(%dma_wait3A_79 : memref<128xi32, #tpu.memory_space<vmem>>)
      %dma_wait3A_82 = arith.constant 0 : i32
      %dma_wait3A_83 = arith.constant 0 : i32
      %dma_wait3A_84 = tpu.memref_slice %arg7[%and3A_71, %dma_wait3A_82, %dma_wait3A_83] : memref<2x128x128xf32, #tpu.memory_space<vmem>> -> memref<1x128x128xf32, #tpu.memory_space<vmem>>
      %dma_wait3A_85 = tpu.memref_squeeze %dma_wait3A_84 : memref<1x128x128xf32, #tpu.memory_space<vmem>> -> memref<128x128xf32, #tpu.memory_space<vmem>>
      %dma_wait3A_86 = arith.constant 0 : i32
      %dma_wait3A_87 = arith.constant 0 : i32
      %dma_wait3A_88 = tpu.memref_slice %arg2[%dma_wait3A_86, %dma_wait3A_87] : memref<320000x128xf32, #tpu.memory_space<hbm>> -> memref<128x128xf32, #tpu.memory_space<hbm>>
      %dma_wait3A_89 = arith.constant 0 : i32
      %dma_wait3A_90 = arith.constant 0 : i32
      %dma_wait3A_91 = tpu.memref_slice %arg7[%and3A_71, %dma_wait3A_89, %dma_wait3A_90] : memref<2x128x128xf32, #tpu.memory_space<vmem>> -> memref<1x128x128xf32, #tpu.memory_space<vmem>>
      %dma_wait3A_92 = tpu.memref_squeeze %dma_wait3A_91 : memref<1x128x128xf32, #tpu.memory_space<vmem>> -> memref<128x128xf32, #tpu.memory_space<vmem>>
      %dma_wait3A_93 = arith.constant 0 : i32
      %dma_wait3A_94 = arith.constant 0 : i32
      %dma_wait3A_95 = tpu.memref_slice %arg2[%dma_wait3A_93, %dma_wait3A_94] : memref<320000x128xf32, #tpu.memory_space<hbm>> -> memref<128x128xf32, #tpu.memory_space<hbm>>
      tpu.wait_dma2 semaphore(%arg12 : memref<!tpu.dma_semaphore, #tpu.memory_space<semaphore_mem>>) src(%dma_wait3A_95 : memref<128x128xf32, #tpu.memory_space<hbm>>) dst(%dma_wait3A_92 : memref<128x128xf32, #tpu.memory_space<vmem>>)
      %lt3A = arith.constant 77 : i32
      %lt3A_96 = arith.cmpi slt, %scan3A_70, %lt3A : i32
      %convert_element_type3A_97 = arith.extui %lt3A_96 : i1 to i32
      %cond3A_98 = arith.constant 0 : i32
      %cond3A_99 = arith.cmpi ne, %convert_element_type3A_97, %cond3A_98 : i32
      scf.if %cond3A_99 {
        %add3A_100 = arith.constant 1 : i32
        %add3A_101 = arith.addi %scan3A_70, %add3A_100 : i32
        %mul3A_102 = arith.constant 10000 : i32
        %mul3A_103 = arith.muli %add3A, %mul3A_102 : i32
        %mul3A_104 = arith.constant 128 : i32
        %mul3A_105 = arith.muli %add3A_101, %mul3A_104 : i32
        %add3A_106 = arith.addi %mul3A_103, %mul3A_105 : i32
        %dma_start3A_107 = arith.constant 0 : i32
        %dma_start3A_108 = tpu.memref_slice %arg6[%sub3A_72, %dma_start3A_107] : memref<2x128xi32, #tpu.memory_space<vmem>> -> memref<1x128xi32, #tpu.memory_space<vmem>>
        %dma_start3A_109 = tpu.memref_squeeze %dma_start3A_108 : memref<1x128xi32, #tpu.memory_space<vmem>> -> memref<128xi32, #tpu.memory_space<vmem>>
        %dma_start3A_110 = tpu.memref_slice %arg3[%add3A_106] : memref<320000xi32, #tpu.memory_space<hbm>> -> memref<128xi32, #tpu.memory_space<hbm>>
        %dma_start3A_111 = arith.constant 0 : i32
        %dma_start3A_112 = tpu.memref_slice %arg6[%sub3A_72, %dma_start3A_111] : memref<2x128xi32, #tpu.memory_space<vmem>> -> memref<1x128xi32, #tpu.memory_space<vmem>>
        %dma_start3A_113 = tpu.memref_squeeze %dma_start3A_112 : memref<1x128xi32, #tpu.memory_space<vmem>> -> memref<128xi32, #tpu.memory_space<vmem>>
        %dma_start3A_114 = tpu.memref_slice %arg3[%add3A_106] : memref<320000xi32, #tpu.memory_space<hbm>> -> memref<128xi32, #tpu.memory_space<hbm>>
        tpu.enqueue_dma source(%dma_start3A_114 : memref<128xi32, #tpu.memory_space<hbm>>) target(%dma_start3A_113 : memref<128xi32, #tpu.memory_space<vmem>>) target_semaphore(%arg11 : memref<!tpu.dma_semaphore, #tpu.memory_space<semaphore_mem>>)
        %add3A_115 = arith.constant 0 : i32
        %add3A_116 = arith.addi %add3A_115, %add3A_106 : i32
        %dma_start3A_117 = arith.constant 0 : i32
        %dma_start3A_118 = arith.constant 0 : i32
        %dma_start3A_119 = tpu.memref_slice %arg7[%sub3A_72, %dma_start3A_117, %dma_start3A_118] : memref<2x128x128xf32, #tpu.memory_space<vmem>> -> memref<1x128x128xf32, #tpu.memory_space<vmem>>
        %dma_start3A_120 = tpu.memref_squeeze %dma_start3A_119 : memref<1x128x128xf32, #tpu.memory_space<vmem>> -> memref<128x128xf32, #tpu.memory_space<vmem>>
        %dma_start3A_121 = arith.constant 0 : i32
        %dma_start3A_122 = tpu.memref_slice %arg2[%add3A_116, %dma_start3A_121] : memref<320000x128xf32, #tpu.memory_space<hbm>> -> memref<128x128xf32, #tpu.memory_space<hbm>>
        %dma_start3A_123 = arith.constant 0 : i32
        %dma_start3A_124 = arith.constant 0 : i32
        %dma_start3A_125 = tpu.memref_slice %arg7[%sub3A_72, %dma_start3A_123, %dma_start3A_124] : memref<2x128x128xf32, #tpu.memory_space<vmem>> -> memref<1x128x128xf32, #tpu.memory_space<vmem>>
        %dma_start3A_126 = tpu.memref_squeeze %dma_start3A_125 : memref<1x128x128xf32, #tpu.memory_space<vmem>> -> memref<128x128xf32, #tpu.memory_space<vmem>>
        %dma_start3A_127 = arith.constant 0 : i32
        %dma_start3A_128 = tpu.memref_slice %arg2[%add3A_116, %dma_start3A_127] : memref<320000x128xf32, #tpu.memory_space<hbm>> -> memref<128x128xf32, #tpu.memory_space<hbm>>
        tpu.enqueue_dma source(%dma_start3A_128 : memref<128x128xf32, #tpu.memory_space<hbm>>) target(%dma_start3A_126 : memref<128x128xf32, #tpu.memory_space<vmem>>) target_semaphore(%arg12 : memref<!tpu.dma_semaphore, #tpu.memory_space<semaphore_mem>>)
      } else {
      }
      "tpu.region"() ({
        %run_scoped3A = tpu.sem_alloc : memref<!tpu.dma_semaphore, #tpu.memory_space<semaphore_mem>>
        %dma_start3A_100 = arith.constant 0 : i32
        %dma_start3A_101 = arith.constant 0 : i32
        %dma_start3A_102 = tpu.memref_slice %arg7[%and3A_71, %dma_start3A_100, %dma_start3A_101] : memref<2x128x128xf32, #tpu.memory_space<vmem>> -> memref<1x128x128xf32, #tpu.memory_space<vmem>>
        %dma_start3A_103 = tpu.memref_squeeze %dma_start3A_102 : memref<1x128x128xf32, #tpu.memory_space<vmem>> -> memref<128x128xf32, #tpu.memory_space<vmem>>
        %dma_start3A_104 = arith.constant 0 : i32
        %dma_start3A_105 = tpu.memref_slice %arg6[%and3A_71, %dma_start3A_104] : memref<2x128xi32, #tpu.memory_space<vmem>> -> memref<1x128xi32, #tpu.memory_space<vmem>>
        %dma_start3A_106 = tpu.memref_squeeze %dma_start3A_105 : memref<1x128xi32, #tpu.memory_space<vmem>> -> memref<128xi32, #tpu.memory_space<vmem>>
        %dma_start3A_107 = arith.constant 0 : i32
        %dma_start3A_108 = arith.constant 0 : i32
        %dma_start3A_109 = tpu.memref_slice %arg5[%dma_start3A_107, %dma_start3A_108] : memref<10000x128xf32, #tpu.memory_space<vmem_shared>> -> memref<10000x128xf32, #tpu.memory_space<vmem_shared>>
        tpu.enqueue_indirect_dma source(%dma_start3A_103 : memref<128x128xf32, #tpu.memory_space<vmem>>) target(%dma_start3A_109 : memref<10000x128xf32, #tpu.memory_space<vmem_shared>>) offsets(%dma_start3A_106 : memref<128xi32, #tpu.memory_space<vmem>>) semaphore(%run_scoped3A : memref<!tpu.dma_semaphore, #tpu.memory_space<semaphore_mem>>) {add = true}
        %dma_wait3A_110 = arith.constant 0 : i32
        %dma_wait3A_111 = arith.constant 0 : i32
        %dma_wait3A_112 = tpu.memref_slice %arg7[%and3A_71, %dma_wait3A_110, %dma_wait3A_111] : memref<2x128x128xf32, #tpu.memory_space<vmem>> -> memref<1x128x128xf32, #tpu.memory_space<vmem>>
        %dma_wait3A_113 = tpu.memref_squeeze %dma_wait3A_112 : memref<1x128x128xf32, #tpu.memory_space<vmem>> -> memref<128x128xf32, #tpu.memory_space<vmem>>
        %dma_wait3A_114 = arith.constant 0 : i32
        %dma_wait3A_115 = tpu.memref_slice %arg6[%and3A_71, %dma_wait3A_114] : memref<2x128xi32, #tpu.memory_space<vmem>> -> memref<1x128xi32, #tpu.memory_space<vmem>>
        %dma_wait3A_116 = tpu.memref_squeeze %dma_wait3A_115 : memref<1x128xi32, #tpu.memory_space<vmem>> -> memref<128xi32, #tpu.memory_space<vmem>>
        %dma_wait3A_117 = arith.constant 0 : i32
        %dma_wait3A_118 = arith.constant 0 : i32
        %dma_wait3A_119 = tpu.memref_slice %arg5[%dma_wait3A_117, %dma_wait3A_118] : memref<10000x128xf32, #tpu.memory_space<vmem_shared>> -> memref<10000x128xf32, #tpu.memory_space<vmem_shared>>
        tpu.wait_indirect_dma semaphore(%run_scoped3A : memref<!tpu.dma_semaphore, #tpu.memory_space<semaphore_mem>>) src(%dma_wait3A_113 : memref<128x128xf32, #tpu.memory_space<vmem>>) dst(%dma_wait3A_119 : memref<10000x128xf32, #tpu.memory_space<vmem_shared>>)
        tpu.yield
      }) : () -> ()
    }
    %scan3A_54 = arith.constant 78 : i32
    %mul3A_55 = arith.constant 10000 : i32
    %mul3A_56 = arith.muli %add3A, %mul3A_55 : i32
    %add3A_57 = arith.constant 9984 : i32
    %add3A_58 = arith.addi %mul3A_56, %add3A_57 : i32
    "tpu.region"() ({
      %run_scoped3A = tpu.sem_alloc : memref<!tpu.dma_semaphore, #tpu.memory_space<semaphore_mem>>
      %dma_start3A_70 = tpu.memref_slice %arg3[%add3A_58] : memref<320000xi32, #tpu.memory_space<hbm>> -> memref<16xi32, #tpu.memory_space<hbm>>
      %dma_start3A_71 = tpu.memref_slice %arg3[%add3A_58] : memref<320000xi32, #tpu.memory_space<hbm>> -> memref<16xi32, #tpu.memory_space<hbm>>
      tpu.enqueue_dma source(%dma_start3A_71 : memref<16xi32, #tpu.memory_space<hbm>>) target(%arg8 : memref<16xi32, #tpu.memory_space<vmem>>) target_semaphore(%run_scoped3A : memref<!tpu.dma_semaphore, #tpu.memory_space<semaphore_mem>>)
      %dma_wait3A = tpu.memref_slice %arg3[%add3A_58] : memref<320000xi32, #tpu.memory_space<hbm>> -> memref<16xi32, #tpu.memory_space<hbm>>
      %dma_wait3A_72 = tpu.memref_slice %arg3[%add3A_58] : memref<320000xi32, #tpu.memory_space<hbm>> -> memref<16xi32, #tpu.memory_space<hbm>>
      tpu.wait_dma2 semaphore(%run_scoped3A : memref<!tpu.dma_semaphore, #tpu.memory_space<semaphore_mem>>) src(%dma_wait3A_72 : memref<16xi32, #tpu.memory_space<hbm>>) dst(%arg8 : memref<16xi32, #tpu.memory_space<vmem>>)
      tpu.yield
    }) : () -> ()
    %add3A_59 = arith.constant 0 : i32
    %add3A_60 = arith.addi %add3A_59, %add3A_58 : i32
    "tpu.region"() ({
      %run_scoped3A = tpu.sem_alloc : memref<!tpu.dma_semaphore, #tpu.memory_space<semaphore_mem>>
      %dma_start3A_70 = arith.constant 0 : i32
      %dma_start3A_71 = tpu.memref_slice %arg2[%add3A_60, %dma_start3A_70] : memref<320000x128xf32, #tpu.memory_space<hbm>> -> memref<16x128xf32, #tpu.memory_space<hbm>>
      %dma_start3A_72 = arith.constant 0 : i32
      %dma_start3A_73 = tpu.memref_slice %arg2[%add3A_60, %dma_start3A_72] : memref<320000x128xf32, #tpu.memory_space<hbm>> -> memref<16x128xf32, #tpu.memory_space<hbm>>
      tpu.enqueue_dma source(%dma_start3A_73 : memref<16x128xf32, #tpu.memory_space<hbm>>) target(%arg9 : memref<16x128xf32, #tpu.memory_space<vmem>>) target_semaphore(%run_scoped3A : memref<!tpu.dma_semaphore, #tpu.memory_space<semaphore_mem>>)
      %dma_wait3A = arith.constant 0 : i32
      %dma_wait3A_74 = tpu.memref_slice %arg2[%add3A_60, %dma_wait3A] : memref<320000x128xf32, #tpu.memory_space<hbm>> -> memref<16x128xf32, #tpu.memory_space<hbm>>
      %dma_wait3A_75 = arith.constant 0 : i32
      %dma_wait3A_76 = tpu.memref_slice %arg2[%add3A_60, %dma_wait3A_75] : memref<320000x128xf32, #tpu.memory_space<hbm>> -> memref<16x128xf32, #tpu.memory_space<hbm>>
      tpu.wait_dma2 semaphore(%run_scoped3A : memref<!tpu.dma_semaphore, #tpu.memory_space<semaphore_mem>>) src(%dma_wait3A_76 : memref<16x128xf32, #tpu.memory_space<hbm>>) dst(%arg9 : memref<16x128xf32, #tpu.memory_space<vmem>>)
      tpu.yield
    }) : () -> ()
    "tpu.region"() ({
      %run_scoped3A = tpu.sem_alloc : memref<!tpu.dma_semaphore, #tpu.memory_space<semaphore_mem>>
      %dma_start3A_70 = arith.constant 0 : i32
      %dma_start3A_71 = arith.constant 0 : i32
      %dma_start3A_72 = tpu.memref_slice %arg5[%dma_start3A_70, %dma_start3A_71] : memref<10000x128xf32, #tpu.memory_space<vmem_shared>> -> memref<10000x128xf32, #tpu.memory_space<vmem_shared>>
      tpu.enqueue_indirect_dma source(%arg9 : memref<16x128xf32, #tpu.memory_space<vmem>>) target(%dma_start3A_72 : memref<10000x128xf32, #tpu.memory_space<vmem_shared>>) offsets(%arg8 : memref<16xi32, #tpu.memory_space<vmem>>) semaphore(%run_scoped3A : memref<!tpu.dma_semaphore, #tpu.memory_space<semaphore_mem>>) {add = true}
      %dma_wait3A = arith.constant 0 : i32
      %dma_wait3A_73 = arith.constant 0 : i32
      %dma_wait3A_74 = tpu.memref_slice %arg5[%dma_wait3A, %dma_wait3A_73] : memref<10000x128xf32, #tpu.memory_space<vmem_shared>> -> memref<10000x128xf32, #tpu.memory_space<vmem_shared>>
      tpu.wait_indirect_dma semaphore(%run_scoped3A : memref<!tpu.dma_semaphore, #tpu.memory_space<semaphore_mem>>) src(%arg9 : memref<16x128xf32, #tpu.memory_space<vmem>>) dst(%dma_wait3A_74 : memref<10000x128xf32, #tpu.memory_space<vmem_shared>>)
      tpu.yield
    }) : () -> ()
    %barrier3A_61 = arith.constant 0 : index
    tpu.barrier barrier_id(%barrier3A_61)
    %mul3A_62 = arith.constant 10000 : i32
    %mul3A_63 = arith.muli %arg0, %mul3A_62 : i32
    %add3A_64 = arith.addi %mul3A_63, %mul3A_7 : i32
    "tpu.region"() ({
      %run_scoped3A = tpu.sem_alloc : memref<!tpu.dma_semaphore, #tpu.memory_space<semaphore_mem>>
      %dma_start3A_70 = arith.constant 0 : i32
      %dma_start3A_71 = tpu.memref_slice %arg4[%add3A_64, %dma_start3A_70] : memref<20000x128xf32, #tpu.memory_space<hbm>> -> memref<624x128xf32, #tpu.memory_space<hbm>>
      %dma_start3A_72 = arith.constant 0 : i32
      %dma_start3A_73 = tpu.memref_slice %arg5[%mul3A_7, %dma_start3A_72] : memref<10000x128xf32, #tpu.memory_space<vmem_shared>> -> memref<624x128xf32, #tpu.memory_space<vmem_shared>>
      tpu.enqueue_dma source(%dma_start3A_73 : memref<624x128xf32, #tpu.memory_space<vmem_shared>>) target(%dma_start3A_71 : memref<624x128xf32, #tpu.memory_space<hbm>>) target_semaphore(%run_scoped3A : memref<!tpu.dma_semaphore, #tpu.memory_space<semaphore_mem>>)
      %dma_wait3A = arith.constant 0 : i32
      %dma_wait3A_74 = tpu.memref_slice %arg4[%add3A_64, %dma_wait3A] : memref<20000x128xf32, #tpu.memory_space<hbm>> -> memref<624x128xf32, #tpu.memory_space<hbm>>
      %dma_wait3A_75 = arith.constant 0 : i32
      %dma_wait3A_76 = tpu.memref_slice %arg5[%mul3A_7, %dma_wait3A_75] : memref<10000x128xf32, #tpu.memory_space<vmem_shared>> -> memref<624x128xf32, #tpu.memory_space<vmem_shared>>
      tpu.wait_dma2 semaphore(%run_scoped3A : memref<!tpu.dma_semaphore, #tpu.memory_space<semaphore_mem>>) src(%dma_wait3A_76 : memref<624x128xf32, #tpu.memory_space<vmem_shared>>) dst(%dma_wait3A_74 : memref<624x128xf32, #tpu.memory_space<hbm>>)
      tpu.yield
    }) : () -> ()
    %eq3A_65 = arith.constant 0 : i32
    %eq3A_66 = arith.cmpi eq, %arg1, %eq3A_65 : i32
    %convert_element_type3A_67 = arith.extui %eq3A_66 : i1 to i32
    %cond3A_68 = arith.constant 0 : i32
    %cond3A_69 = arith.cmpi ne, %convert_element_type3A_67, %cond3A_68 : i32
    scf.if %cond3A_69 {
      %mul3A_70 = arith.constant 10000 : i32
      %mul3A_71 = arith.muli %arg0, %mul3A_70 : i32
      %add3A_72 = arith.constant 9984 : i32
      %add3A_73 = arith.addi %mul3A_71, %add3A_72 : i32
      "tpu.region"() ({
        %run_scoped3A = tpu.sem_alloc : memref<!tpu.dma_semaphore, #tpu.memory_space<semaphore_mem>>
        %dma_start3A_74 = arith.constant 0 : i32
        %dma_start3A_75 = tpu.memref_slice %arg4[%add3A_73, %dma_start3A_74] : memref<20000x128xf32, #tpu.memory_space<hbm>> -> memref<16x128xf32, #tpu.memory_space<hbm>>
        %dma_start3A_76 = arith.constant 9984 : i32
        %dma_start3A_77 = arith.constant 0 : i32
        %dma_start3A_78 = tpu.memref_slice %arg5[%dma_start3A_76, %dma_start3A_77] : memref<10000x128xf32, #tpu.memory_space<vmem_shared>> -> memref<16x128xf32, #tpu.memory_space<vmem_shared>>
        tpu.enqueue_dma source(%dma_start3A_78 : memref<16x128xf32, #tpu.memory_space<vmem_shared>>) target(%dma_start3A_75 : memref<16x128xf32, #tpu.memory_space<hbm>>) target_semaphore(%run_scoped3A : memref<!tpu.dma_semaphore, #tpu.memory_space<semaphore_mem>>)
        %dma_wait3A = arith.constant 0 : i32
        %dma_wait3A_79 = tpu.memref_slice %arg4[%add3A_73, %dma_wait3A] : memref<20000x128xf32, #tpu.memory_space<hbm>> -> memref<16x128xf32, #tpu.memory_space<hbm>>
        %dma_wait3A_80 = arith.constant 9984 : i32
        %dma_wait3A_81 = arith.constant 0 : i32
        %dma_wait3A_82 = tpu.memref_slice %arg5[%dma_wait3A_80, %dma_wait3A_81] : memref<10000x128xf32, #tpu.memory_space<vmem_shared>> -> memref<16x128xf32, #tpu.memory_space<vmem_shared>>
        tpu.wait_dma2 semaphore(%run_scoped3A : memref<!tpu.dma_semaphore, #tpu.memory_space<semaphore_mem>>) src(%dma_wait3A_82 : memref<16x128xf32, #tpu.memory_space<vmem_shared>>) dst(%dma_wait3A_79 : memref<16x128xf32, #tpu.memory_space<hbm>>)
        tpu.yield
      }) : () -> ()
    } else {
    }
    return
  }
}

#map = affine_map<(d0, d1) -> (0, 0)>
#map1 = affine_map<(d0, d1) -> (0)>
module attributes {stable_mosaic.version = 14 : i64} {
  func.func @k(%arg0: i32, %arg1: i32, %arg2: memref<10000x128xf32, #tpu.memory_space<hbm>>, %arg3: memref<10000x128xf32, #tpu.memory_space<hbm>>, %arg4: memref<320000xi32, #tpu.memory_space<hbm>>, %arg5: memref<320000xi32, #tpu.memory_space<hbm>>, %arg6: memref<10000xi32, #tpu.memory_space<hbm>>, %arg7: memref<320000x128xf32, #tpu.memory_space<hbm>>, %arg8: memref<320000x128xf32, #tpu.memory_space<hbm>>, %arg9: memref<320000xi32, #tpu.memory_space<hbm>>, %arg10: memref<10000xi32, #tpu.memory_space<vmem>>, %arg11: memref<10000xi32, #tpu.memory_space<vmem>>, %arg12: memref<10000xi32, #tpu.memory_space<vmem>>, %arg13: memref<10000xi32, #tpu.memory_space<vmem>>, %arg14: memref<2x128x128xf32, #tpu.memory_space<vmem>>, %arg15: memref<2x128x128xf32, #tpu.memory_space<vmem>>, %arg16: memref<16x128xf32, #tpu.memory_space<vmem>>, %arg17: memref<16x128xf32, #tpu.memory_space<vmem>>, %arg18: memref<!tpu.dma_semaphore, #tpu.memory_space<semaphore_mem>>, %arg19: memref<!tpu.dma_semaphore, #tpu.memory_space<semaphore_mem>>) attributes {dimension_semantics = [#tpu.dimension_semantics<core_parallel>, #tpu.dimension_semantics<subcore_parallel>], iteration_bounds = array<i64: 2, 16>, scalar_prefetch = 0 : i64, scratch_operands = 10 : i64, tpu.core_type = #tpu.core_type<sc_vector_subcore>, window_params = [{transform_indices = #map}, {transform_indices = #map}, {transform_indices = #map1}, {transform_indices = #map1}, {transform_indices = #map1}, {transform_indices = #map}, {transform_indices = #map}, {transform_indices = #map1}]} {
    %mul3A = arith.constant 2 : i32
    %mul3A_0 = arith.muli %arg1, %mul3A : i32
    %add3A = arith.addi %mul3A_0, %arg0 : i32
    %mul3A_1 = arith.constant 10000 : i32
    %mul3A_2 = arith.muli %add3A, %mul3A_1 : i32
    "tpu.region"() ({
      %run_scoped3A = tpu.sem_alloc : memref<!tpu.dma_semaphore, #tpu.memory_space<semaphore_mem>>
      %dma_start3A_82 = tpu.memref_slice %arg4[%mul3A_2] : memref<320000xi32, #tpu.memory_space<hbm>> -> memref<10000xi32, #tpu.memory_space<hbm>>
      %dma_start3A_83 = tpu.memref_slice %arg4[%mul3A_2] : memref<320000xi32, #tpu.memory_space<hbm>> -> memref<10000xi32, #tpu.memory_space<hbm>>
      tpu.enqueue_dma source(%dma_start3A_83 : memref<10000xi32, #tpu.memory_space<hbm>>) target(%arg10 : memref<10000xi32, #tpu.memory_space<vmem>>) target_semaphore(%run_scoped3A : memref<!tpu.dma_semaphore, #tpu.memory_space<semaphore_mem>>)
      %dma_wait3A_84 = tpu.memref_slice %arg4[%mul3A_2] : memref<320000xi32, #tpu.memory_space<hbm>> -> memref<10000xi32, #tpu.memory_space<hbm>>
      %dma_wait3A_85 = tpu.memref_slice %arg4[%mul3A_2] : memref<320000xi32, #tpu.memory_space<hbm>> -> memref<10000xi32, #tpu.memory_space<hbm>>
      tpu.wait_dma2 semaphore(%run_scoped3A : memref<!tpu.dma_semaphore, #tpu.memory_space<semaphore_mem>>) src(%dma_wait3A_85 : memref<10000xi32, #tpu.memory_space<hbm>>) dst(%arg10 : memref<10000xi32, #tpu.memory_space<vmem>>)
      tpu.yield
    }) : () -> ()
    "tpu.region"() ({
      %run_scoped3A = tpu.sem_alloc : memref<!tpu.dma_semaphore, #tpu.memory_space<semaphore_mem>>
      %dma_start3A_82 = tpu.memref_slice %arg5[%mul3A_2] : memref<320000xi32, #tpu.memory_space<hbm>> -> memref<10000xi32, #tpu.memory_space<hbm>>
      %dma_start3A_83 = tpu.memref_slice %arg5[%mul3A_2] : memref<320000xi32, #tpu.memory_space<hbm>> -> memref<10000xi32, #tpu.memory_space<hbm>>
      tpu.enqueue_dma source(%dma_start3A_83 : memref<10000xi32, #tpu.memory_space<hbm>>) target(%arg11 : memref<10000xi32, #tpu.memory_space<vmem>>) target_semaphore(%run_scoped3A : memref<!tpu.dma_semaphore, #tpu.memory_space<semaphore_mem>>)
      %dma_wait3A_84 = tpu.memref_slice %arg5[%mul3A_2] : memref<320000xi32, #tpu.memory_space<hbm>> -> memref<10000xi32, #tpu.memory_space<hbm>>
      %dma_wait3A_85 = tpu.memref_slice %arg5[%mul3A_2] : memref<320000xi32, #tpu.memory_space<hbm>> -> memref<10000xi32, #tpu.memory_space<hbm>>
      tpu.wait_dma2 semaphore(%run_scoped3A : memref<!tpu.dma_semaphore, #tpu.memory_space<semaphore_mem>>) src(%dma_wait3A_85 : memref<10000xi32, #tpu.memory_space<hbm>>) dst(%arg11 : memref<10000xi32, #tpu.memory_space<vmem>>)
      tpu.yield
    }) : () -> ()
    "tpu.region"() ({
      %run_scoped3A = tpu.sem_alloc : memref<!tpu.dma_semaphore, #tpu.memory_space<semaphore_mem>>
      tpu.enqueue_dma source(%arg6 : memref<10000xi32, #tpu.memory_space<hbm>>) target(%arg13 : memref<10000xi32, #tpu.memory_space<vmem>>) target_semaphore(%run_scoped3A : memref<!tpu.dma_semaphore, #tpu.memory_space<semaphore_mem>>)
      tpu.wait_dma2 semaphore(%run_scoped3A : memref<!tpu.dma_semaphore, #tpu.memory_space<semaphore_mem>>) src(%arg6 : memref<10000xi32, #tpu.memory_space<hbm>>) dst(%arg13 : memref<10000xi32, #tpu.memory_space<vmem>>)
      tpu.yield
    }) : () -> ()
    %dma_start3A = arith.constant 0 : i32
    %dma_start3A_3 = arith.constant 0 : i32
    %dma_start3A_4 = arith.constant 0 : i32
    %dma_start3A_5 = tpu.memref_slice %arg14[%dma_start3A, %dma_start3A_3, %dma_start3A_4] : memref<2x128x128xf32, #tpu.memory_space<vmem>> -> memref<1x128x128xf32, #tpu.memory_space<vmem>>
    %dma_start3A_6 = tpu.memref_squeeze %dma_start3A_5 : memref<1x128x128xf32, #tpu.memory_space<vmem>> -> memref<128x128xf32, #tpu.memory_space<vmem>>
    %dma_start3A_7 = arith.constant 0 : i32
    %dma_start3A_8 = tpu.memref_slice %arg10[%dma_start3A_7] : memref<10000xi32, #tpu.memory_space<vmem>> -> memref<128xi32, #tpu.memory_space<vmem>>
    %dma_start3A_9 = arith.constant 0 : i32
    %dma_start3A_10 = arith.constant 0 : i32
    %dma_start3A_11 = tpu.memref_slice %arg2[%dma_start3A_9, %dma_start3A_10] : memref<10000x128xf32, #tpu.memory_space<hbm>> -> memref<10000x128xf32, #tpu.memory_space<hbm>>
    tpu.enqueue_indirect_dma source(%dma_start3A_11 : memref<10000x128xf32, #tpu.memory_space<hbm>>) target(%dma_start3A_6 : memref<128x128xf32, #tpu.memory_space<vmem>>) offsets(%dma_start3A_8 : memref<128xi32, #tpu.memory_space<vmem>>) semaphore(%arg18 : memref<!tpu.dma_semaphore, #tpu.memory_space<semaphore_mem>>)
    %dma_start3A_12 = arith.constant 0 : i32
    %dma_start3A_13 = arith.constant 0 : i32
    %dma_start3A_14 = arith.constant 0 : i32
    %dma_start3A_15 = tpu.memref_slice %arg15[%dma_start3A_12, %dma_start3A_13, %dma_start3A_14] : memref<2x128x128xf32, #tpu.memory_space<vmem>> -> memref<1x128x128xf32, #tpu.memory_space<vmem>>
    %dma_start3A_16 = tpu.memref_squeeze %dma_start3A_15 : memref<1x128x128xf32, #tpu.memory_space<vmem>> -> memref<128x128xf32, #tpu.memory_space<vmem>>
    %dma_start3A_17 = arith.constant 0 : i32
    %dma_start3A_18 = tpu.memref_slice %arg11[%dma_start3A_17] : memref<10000xi32, #tpu.memory_space<vmem>> -> memref<128xi32, #tpu.memory_space<vmem>>
    %dma_start3A_19 = arith.constant 0 : i32
    %dma_start3A_20 = arith.constant 0 : i32
    %dma_start3A_21 = tpu.memref_slice %arg3[%dma_start3A_19, %dma_start3A_20] : memref<10000x128xf32, #tpu.memory_space<hbm>> -> memref<10000x128xf32, #tpu.memory_space<hbm>>
    tpu.enqueue_indirect_dma source(%dma_start3A_21 : memref<10000x128xf32, #tpu.memory_space<hbm>>) target(%dma_start3A_16 : memref<128x128xf32, #tpu.memory_space<vmem>>) offsets(%dma_start3A_18 : memref<128xi32, #tpu.memory_space<vmem>>) semaphore(%arg18 : memref<!tpu.dma_semaphore, #tpu.memory_space<semaphore_mem>>)
    %scan3A = arith.constant 0 : i32
    %scan3A_22 = arith.constant 0 : i32
    %scan3A_23 = arith.constant 78 : i32
    %scan3A_24 = arith.addi %scan3A_22, %scan3A_23 : i32
    %scan3A_25 = arith.constant 1 : i32
    scf.for %scan3A_82 = %scan3A_22 to %scan3A_24 step %scan3A_25  : i32 {
      %and3A = arith.constant 1 : i32
      %and3A_83 = arith.andi %scan3A_82, %and3A : i32
      %sub3A = arith.constant 1 : i32
      %sub3A_84 = arith.subi %sub3A, %and3A_83 : i32
      %dma_wait3A_85 = arith.constant 0 : i32
      %dma_wait3A_86 = arith.constant 0 : i32
      %dma_wait3A_87 = tpu.memref_slice %arg14[%and3A_83, %dma_wait3A_85, %dma_wait3A_86] : memref<2x128x128xf32, #tpu.memory_space<vmem>> -> memref<1x128x128xf32, #tpu.memory_space<vmem>>
      %dma_wait3A_88 = tpu.memref_squeeze %dma_wait3A_87 : memref<1x128x128xf32, #tpu.memory_space<vmem>> -> memref<128x128xf32, #tpu.memory_space<vmem>>
      %dma_wait3A_89 = arith.constant 0 : i32
      %dma_wait3A_90 = tpu.memref_slice %arg10[%dma_wait3A_89] : memref<10000xi32, #tpu.memory_space<vmem>> -> memref<128xi32, #tpu.memory_space<vmem>>
      %dma_wait3A_91 = arith.constant 0 : i32
      %dma_wait3A_92 = arith.constant 0 : i32
      %dma_wait3A_93 = tpu.memref_slice %arg2[%dma_wait3A_91, %dma_wait3A_92] : memref<10000x128xf32, #tpu.memory_space<hbm>> -> memref<10000x128xf32, #tpu.memory_space<hbm>>
      tpu.wait_indirect_dma semaphore(%arg18 : memref<!tpu.dma_semaphore, #tpu.memory_space<semaphore_mem>>) src(%dma_wait3A_93 : memref<10000x128xf32, #tpu.memory_space<hbm>>) dst(%dma_wait3A_88 : memref<128x128xf32, #tpu.memory_space<vmem>>)
      %dma_wait3A_94 = arith.constant 0 : i32
      %dma_wait3A_95 = arith.constant 0 : i32
      %dma_wait3A_96 = tpu.memref_slice %arg15[%and3A_83, %dma_wait3A_94, %dma_wait3A_95] : memref<2x128x128xf32, #tpu.memory_space<vmem>> -> memref<1x128x128xf32, #tpu.memory_space<vmem>>
      %dma_wait3A_97 = tpu.memref_squeeze %dma_wait3A_96 : memref<1x128x128xf32, #tpu.memory_space<vmem>> -> memref<128x128xf32, #tpu.memory_space<vmem>>
      %dma_wait3A_98 = arith.constant 0 : i32
      %dma_wait3A_99 = tpu.memref_slice %arg10[%dma_wait3A_98] : memref<10000xi32, #tpu.memory_space<vmem>> -> memref<128xi32, #tpu.memory_space<vmem>>
      %dma_wait3A_100 = arith.constant 0 : i32
      %dma_wait3A_101 = arith.constant 0 : i32
      %dma_wait3A_102 = tpu.memref_slice %arg2[%dma_wait3A_100, %dma_wait3A_101] : memref<10000x128xf32, #tpu.memory_space<hbm>> -> memref<10000x128xf32, #tpu.memory_space<hbm>>
      tpu.wait_indirect_dma semaphore(%arg18 : memref<!tpu.dma_semaphore, #tpu.memory_space<semaphore_mem>>) src(%dma_wait3A_102 : memref<10000x128xf32, #tpu.memory_space<hbm>>) dst(%dma_wait3A_97 : memref<128x128xf32, #tpu.memory_space<vmem>>)
      %ge3A = arith.constant 1 : i32
      %ge3A_103 = arith.cmpi sge, %scan3A_82, %ge3A : i32
      %convert_element_type3A = arith.extui %ge3A_103 : i1 to i32
      %cond3A = arith.constant 0 : i32
      %cond3A_104 = arith.cmpi ne, %convert_element_type3A, %cond3A : i32
      scf.if %cond3A_104 {
        %dma_wait3A_211 = arith.constant 0 : i32
        %dma_wait3A_212 = arith.constant 0 : i32
        %dma_wait3A_213 = tpu.memref_slice %arg14[%sub3A_84, %dma_wait3A_211, %dma_wait3A_212] : memref<2x128x128xf32, #tpu.memory_space<vmem>> -> memref<1x128x128xf32, #tpu.memory_space<vmem>>
        %dma_wait3A_214 = tpu.memref_squeeze %dma_wait3A_213 : memref<1x128x128xf32, #tpu.memory_space<vmem>> -> memref<128x128xf32, #tpu.memory_space<vmem>>
        %dma_wait3A_215 = arith.constant 0 : i32
        %dma_wait3A_216 = arith.constant 0 : i32
        %dma_wait3A_217 = tpu.memref_slice %arg7[%dma_wait3A_215, %dma_wait3A_216] : memref<320000x128xf32, #tpu.memory_space<hbm>> -> memref<128x128xf32, #tpu.memory_space<hbm>>
        %dma_wait3A_218 = arith.constant 0 : i32
        %dma_wait3A_219 = arith.constant 0 : i32
        %dma_wait3A_220 = tpu.memref_slice %arg7[%dma_wait3A_218, %dma_wait3A_219] : memref<320000x128xf32, #tpu.memory_space<hbm>> -> memref<128x128xf32, #tpu.memory_space<hbm>>
        %dma_wait3A_221 = arith.constant 0 : i32
        %dma_wait3A_222 = arith.constant 0 : i32
        %dma_wait3A_223 = tpu.memref_slice %arg14[%sub3A_84, %dma_wait3A_221, %dma_wait3A_222] : memref<2x128x128xf32, #tpu.memory_space<vmem>> -> memref<1x128x128xf32, #tpu.memory_space<vmem>>
        %dma_wait3A_224 = tpu.memref_squeeze %dma_wait3A_223 : memref<1x128x128xf32, #tpu.memory_space<vmem>> -> memref<128x128xf32, #tpu.memory_space<vmem>>
        tpu.wait_dma2 semaphore(%arg19 : memref<!tpu.dma_semaphore, #tpu.memory_space<semaphore_mem>>) src(%dma_wait3A_224 : memref<128x128xf32, #tpu.memory_space<vmem>>) dst(%dma_wait3A_220 : memref<128x128xf32, #tpu.memory_space<hbm>>)
        %dma_wait3A_225 = arith.constant 0 : i32
        %dma_wait3A_226 = arith.constant 0 : i32
        %dma_wait3A_227 = tpu.memref_slice %arg15[%sub3A_84, %dma_wait3A_225, %dma_wait3A_226] : memref<2x128x128xf32, #tpu.memory_space<vmem>> -> memref<1x128x128xf32, #tpu.memory_space<vmem>>
        %dma_wait3A_228 = tpu.memref_squeeze %dma_wait3A_227 : memref<1x128x128xf32, #tpu.memory_space<vmem>> -> memref<128x128xf32, #tpu.memory_space<vmem>>
        %dma_wait3A_229 = arith.constant 0 : i32
        %dma_wait3A_230 = arith.constant 0 : i32
        %dma_wait3A_231 = tpu.memref_slice %arg8[%dma_wait3A_229, %dma_wait3A_230] : memref<320000x128xf32, #tpu.memory_space<hbm>> -> memref<128x128xf32, #tpu.memory_space<hbm>>
        %dma_wait3A_232 = arith.constant 0 : i32
        %dma_wait3A_233 = arith.constant 0 : i32
        %dma_wait3A_234 = tpu.memref_slice %arg8[%dma_wait3A_232, %dma_wait3A_233] : memref<320000x128xf32, #tpu.memory_space<hbm>> -> memref<128x128xf32, #tpu.memory_space<hbm>>
        %dma_wait3A_235 = arith.constant 0 : i32
        %dma_wait3A_236 = arith.constant 0 : i32
        %dma_wait3A_237 = tpu.memref_slice %arg15[%sub3A_84, %dma_wait3A_235, %dma_wait3A_236] : memref<2x128x128xf32, #tpu.memory_space<vmem>> -> memref<1x128x128xf32, #tpu.memory_space<vmem>>
        %dma_wait3A_238 = tpu.memref_squeeze %dma_wait3A_237 : memref<1x128x128xf32, #tpu.memory_space<vmem>> -> memref<128x128xf32, #tpu.memory_space<vmem>>
        tpu.wait_dma2 semaphore(%arg19 : memref<!tpu.dma_semaphore, #tpu.memory_space<semaphore_mem>>) src(%dma_wait3A_238 : memref<128x128xf32, #tpu.memory_space<vmem>>) dst(%dma_wait3A_234 : memref<128x128xf32, #tpu.memory_space<hbm>>)
      } else {
      }
      %lt3A = arith.constant 77 : i32
      %lt3A_105 = arith.cmpi slt, %scan3A_82, %lt3A : i32
      %convert_element_type3A_106 = arith.extui %lt3A_105 : i1 to i32
      %cond3A_107 = arith.constant 0 : i32
      %cond3A_108 = arith.cmpi ne, %convert_element_type3A_106, %cond3A_107 : i32
      scf.if %cond3A_108 {
        %add3A_211 = arith.constant 1 : i32
        %add3A_212 = arith.addi %scan3A_82, %add3A_211 : i32
        %mul3A_213 = arith.constant 128 : i32
        %mul3A_214 = arith.muli %add3A_212, %mul3A_213 : i32
        %dma_start3A_215 = arith.constant 0 : i32
        %dma_start3A_216 = arith.constant 0 : i32
        %dma_start3A_217 = tpu.memref_slice %arg14[%sub3A_84, %dma_start3A_215, %dma_start3A_216] : memref<2x128x128xf32, #tpu.memory_space<vmem>> -> memref<1x128x128xf32, #tpu.memory_space<vmem>>
        %dma_start3A_218 = tpu.memref_squeeze %dma_start3A_217 : memref<1x128x128xf32, #tpu.memory_space<vmem>> -> memref<128x128xf32, #tpu.memory_space<vmem>>
        %dma_start3A_219 = tpu.memref_slice %arg10[%mul3A_214] : memref<10000xi32, #tpu.memory_space<vmem>> -> memref<128xi32, #tpu.memory_space<vmem>>
        %dma_start3A_220 = arith.constant 0 : i32
        %dma_start3A_221 = arith.constant 0 : i32
        %dma_start3A_222 = tpu.memref_slice %arg2[%dma_start3A_220, %dma_start3A_221] : memref<10000x128xf32, #tpu.memory_space<hbm>> -> memref<10000x128xf32, #tpu.memory_space<hbm>>
        tpu.enqueue_indirect_dma source(%dma_start3A_222 : memref<10000x128xf32, #tpu.memory_space<hbm>>) target(%dma_start3A_218 : memref<128x128xf32, #tpu.memory_space<vmem>>) offsets(%dma_start3A_219 : memref<128xi32, #tpu.memory_space<vmem>>) semaphore(%arg18 : memref<!tpu.dma_semaphore, #tpu.memory_space<semaphore_mem>>)
        %mul3A_223 = arith.constant 128 : i32
        %mul3A_224 = arith.muli %add3A_212, %mul3A_223 : i32
        %dma_start3A_225 = arith.constant 0 : i32
        %dma_start3A_226 = arith.constant 0 : i32
        %dma_start3A_227 = tpu.memref_slice %arg15[%sub3A_84, %dma_start3A_225, %dma_start3A_226] : memref<2x128x128xf32, #tpu.memory_space<vmem>> -> memref<1x128x128xf32, #tpu.memory_space<vmem>>
        %dma_start3A_228 = tpu.memref_squeeze %dma_start3A_227 : memref<1x128x128xf32, #tpu.memory_space<vmem>> -> memref<128x128xf32, #tpu.memory_space<vmem>>
        %dma_start3A_229 = tpu.memref_slice %arg11[%mul3A_224] : memref<10000xi32, #tpu.memory_space<vmem>> -> memref<128xi32, #tpu.memory_space<vmem>>
        %dma_start3A_230 = arith.constant 0 : i32
        %dma_start3A_231 = arith.constant 0 : i32
        %dma_start3A_232 = tpu.memref_slice %arg3[%dma_start3A_230, %dma_start3A_231] : memref<10000x128xf32, #tpu.memory_space<hbm>> -> memref<10000x128xf32, #tpu.memory_space<hbm>>
        tpu.enqueue_indirect_dma source(%dma_start3A_232 : memref<10000x128xf32, #tpu.memory_space<hbm>>) target(%dma_start3A_228 : memref<128x128xf32, #tpu.memory_space<vmem>>) offsets(%dma_start3A_229 : memref<128xi32, #tpu.memory_space<vmem>>) semaphore(%arg18 : memref<!tpu.dma_semaphore, #tpu.memory_space<semaphore_mem>>)
      } else {
      }
      %mul3A_109 = arith.constant 128 : i32
      %mul3A_110 = arith.muli %scan3A_82, %mul3A_109 : i32
      %add3A_111 = arith.constant 0 : i32
      %add3A_112 = arith.addi %mul3A_110, %add3A_111 : i32
      %get3A_113 = arith.index_cast %add3A_112 : i32 to index
      %get3A_114 = tpu.vector_load %arg10[%get3A_113] {strides = array<i32>} : memref<10000xi32, #tpu.memory_space<vmem>>, vector<16xi32>,
      %gather3A_115 = tpu.vector_load_idx %arg13[%get3A_114] : memref<10000xi32, #tpu.memory_space<vmem>>[vector<16xi32>], vector<16xi32>,
      %swap3A_116 = arith.index_cast %add3A_112 : i32 to index
      %swap3A_117 = tpu.vector_load %arg12[%swap3A_116] {strides = array<i32>} : memref<10000xi32, #tpu.memory_space<vmem>>, vector<16xi32>,
      tpu.vector_store %arg12[%swap3A_116], %gather3A_115 {strides = array<i32>} : memref<10000xi32, #tpu.memory_space<vmem>>, vector<16xi32>,
      %mul3A_118 = arith.constant 128 : i32
      %mul3A_119 = arith.muli %scan3A_82, %mul3A_118 : i32
      %add3A_120 = arith.constant 16 : i32
      %add3A_121 = arith.addi %mul3A_119, %add3A_120 : i32
      %get3A_122 = arith.index_cast %add3A_121 : i32 to index
      %get3A_123 = tpu.vector_load %arg10[%get3A_122] {strides = array<i32>} : memref<10000xi32, #tpu.memory_space<vmem>>, vector<16xi32>,
      %gather3A_124 = tpu.vector_load_idx %arg13[%get3A_123] : memref<10000xi32, #tpu.memory_space<vmem>>[vector<16xi32>], vector<16xi32>,
      %swap3A_125 = arith.index_cast %add3A_121 : i32 to index
      %swap3A_126 = tpu.vector_load %arg12[%swap3A_125] {strides = array<i32>} : memref<10000xi32, #tpu.memory_space<vmem>>, vector<16xi32>,
      tpu.vector_store %arg12[%swap3A_125], %gather3A_124 {strides = array<i32>} : memref<10000xi32, #tpu.memory_space<vmem>>, vector<16xi32>,
      %mul3A_127 = arith.constant 128 : i32
      %mul3A_128 = arith.muli %scan3A_82, %mul3A_127 : i32
      %add3A_129 = arith.constant 32 : i32
      %add3A_130 = arith.addi %mul3A_128, %add3A_129 : i32
      %get3A_131 = arith.index_cast %add3A_130 : i32 to index
      %get3A_132 = tpu.vector_load %arg10[%get3A_131] {strides = array<i32>} : memref<10000xi32, #tpu.memory_space<vmem>>, vector<16xi32>,
      %gather3A_133 = tpu.vector_load_idx %arg13[%get3A_132] : memref<10000xi32, #tpu.memory_space<vmem>>[vector<16xi32>], vector<16xi32>,
      %swap3A_134 = arith.index_cast %add3A_130 : i32 to index
      %swap3A_135 = tpu.vector_load %arg12[%swap3A_134] {strides = array<i32>} : memref<10000xi32, #tpu.memory_space<vmem>>, vector<16xi32>,
      tpu.vector_store %arg12[%swap3A_134], %gather3A_133 {strides = array<i32>} : memref<10000xi32, #tpu.memory_space<vmem>>, vector<16xi32>,
      %mul3A_136 = arith.constant 128 : i32
      %mul3A_137 = arith.muli %scan3A_82, %mul3A_136 : i32
      %add3A_138 = arith.constant 48 : i32
      %add3A_139 = arith.addi %mul3A_137, %add3A_138 : i32
      %get3A_140 = arith.index_cast %add3A_139 : i32 to index
      %get3A_141 = tpu.vector_load %arg10[%get3A_140] {strides = array<i32>} : memref<10000xi32, #tpu.memory_space<vmem>>, vector<16xi32>,
      %gather3A_142 = tpu.vector_load_idx %arg13[%get3A_141] : memref<10000xi32, #tpu.memory_space<vmem>>[vector<16xi32>], vector<16xi32>,
      %swap3A_143 = arith.index_cast %add3A_139 : i32 to index
      %swap3A_144 = tpu.vector_load %arg12[%swap3A_143] {strides = array<i32>} : memref<10000xi32, #tpu.memory_space<vmem>>, vector<16xi32>,
      tpu.vector_store %arg12[%swap3A_143], %gather3A_142 {strides = array<i32>} : memref<10000xi32, #tpu.memory_space<vmem>>, vector<16xi32>,
      %mul3A_145 = arith.constant 128 : i32
      %mul3A_146 = arith.muli %scan3A_82, %mul3A_145 : i32
      %add3A_147 = arith.constant 64 : i32
      %add3A_148 = arith.addi %mul3A_146, %add3A_147 : i32
      %get3A_149 = arith.index_cast %add3A_148 : i32 to index
      %get3A_150 = tpu.vector_load %arg10[%get3A_149] {strides = array<i32>} : memref<10000xi32, #tpu.memory_space<vmem>>, vector<16xi32>,
      %gather3A_151 = tpu.vector_load_idx %arg13[%get3A_150] : memref<10000xi32, #tpu.memory_space<vmem>>[vector<16xi32>], vector<16xi32>,
      %swap3A_152 = arith.index_cast %add3A_148 : i32 to index
      %swap3A_153 = tpu.vector_load %arg12[%swap3A_152] {strides = array<i32>} : memref<10000xi32, #tpu.memory_space<vmem>>, vector<16xi32>,
      tpu.vector_store %arg12[%swap3A_152], %gather3A_151 {strides = array<i32>} : memref<10000xi32, #tpu.memory_space<vmem>>, vector<16xi32>,
      %mul3A_154 = arith.constant 128 : i32
      %mul3A_155 = arith.muli %scan3A_82, %mul3A_154 : i32
      %add3A_156 = arith.constant 80 : i32
      %add3A_157 = arith.addi %mul3A_155, %add3A_156 : i32
      %get3A_158 = arith.index_cast %add3A_157 : i32 to index
      %get3A_159 = tpu.vector_load %arg10[%get3A_158] {strides = array<i32>} : memref<10000xi32, #tpu.memory_space<vmem>>, vector<16xi32>,
      %gather3A_160 = tpu.vector_load_idx %arg13[%get3A_159] : memref<10000xi32, #tpu.memory_space<vmem>>[vector<16xi32>], vector<16xi32>,
      %swap3A_161 = arith.index_cast %add3A_157 : i32 to index
      %swap3A_162 = tpu.vector_load %arg12[%swap3A_161] {strides = array<i32>} : memref<10000xi32, #tpu.memory_space<vmem>>, vector<16xi32>,
      tpu.vector_store %arg12[%swap3A_161], %gather3A_160 {strides = array<i32>} : memref<10000xi32, #tpu.memory_space<vmem>>, vector<16xi32>,
      %mul3A_163 = arith.constant 128 : i32
      %mul3A_164 = arith.muli %scan3A_82, %mul3A_163 : i32
      %add3A_165 = arith.constant 96 : i32
      %add3A_166 = arith.addi %mul3A_164, %add3A_165 : i32
      %get3A_167 = arith.index_cast %add3A_166 : i32 to index
      %get3A_168 = tpu.vector_load %arg10[%get3A_167] {strides = array<i32>} : memref<10000xi32, #tpu.memory_space<vmem>>, vector<16xi32>,
      %gather3A_169 = tpu.vector_load_idx %arg13[%get3A_168] : memref<10000xi32, #tpu.memory_space<vmem>>[vector<16xi32>], vector<16xi32>,
      %swap3A_170 = arith.index_cast %add3A_166 : i32 to index
      %swap3A_171 = tpu.vector_load %arg12[%swap3A_170] {strides = array<i32>} : memref<10000xi32, #tpu.memory_space<vmem>>, vector<16xi32>,
      tpu.vector_store %arg12[%swap3A_170], %gather3A_169 {strides = array<i32>} : memref<10000xi32, #tpu.memory_space<vmem>>, vector<16xi32>,
      %mul3A_172 = arith.constant 128 : i32
      %mul3A_173 = arith.muli %scan3A_82, %mul3A_172 : i32
      %add3A_174 = arith.constant 112 : i32
      %add3A_175 = arith.addi %mul3A_173, %add3A_174 : i32
      %get3A_176 = arith.index_cast %add3A_175 : i32 to index
      %get3A_177 = tpu.vector_load %arg10[%get3A_176] {strides = array<i32>} : memref<10000xi32, #tpu.memory_space<vmem>>, vector<16xi32>,
      %gather3A_178 = tpu.vector_load_idx %arg13[%get3A_177] : memref<10000xi32, #tpu.memory_space<vmem>>[vector<16xi32>], vector<16xi32>,
      %swap3A_179 = arith.index_cast %add3A_175 : i32 to index
      %swap3A_180 = tpu.vector_load %arg12[%swap3A_179] {strides = array<i32>} : memref<10000xi32, #tpu.memory_space<vmem>>, vector<16xi32>,
      tpu.vector_store %arg12[%swap3A_179], %gather3A_178 {strides = array<i32>} : memref<10000xi32, #tpu.memory_space<vmem>>, vector<16xi32>,
      %mul3A_181 = arith.constant 128 : i32
      %mul3A_182 = arith.muli %scan3A_82, %mul3A_181 : i32
      %add3A_183 = arith.addi %mul3A_2, %mul3A_182 : i32
      %dma_start3A_184 = arith.constant 0 : i32
      %dma_start3A_185 = arith.constant 0 : i32
      %dma_start3A_186 = tpu.memref_slice %arg14[%and3A_83, %dma_start3A_184, %dma_start3A_185] : memref<2x128x128xf32, #tpu.memory_space<vmem>> -> memref<1x128x128xf32, #tpu.memory_space<vmem>>
      %dma_start3A_187 = tpu.memref_squeeze %dma_start3A_186 : memref<1x128x128xf32, #tpu.memory_space<vmem>> -> memref<128x128xf32, #tpu.memory_space<vmem>>
      %dma_start3A_188 = arith.constant 0 : i32
      %dma_start3A_189 = tpu.memref_slice %arg7[%add3A_183, %dma_start3A_188] : memref<320000x128xf32, #tpu.memory_space<hbm>> -> memref<128x128xf32, #tpu.memory_space<hbm>>
      %dma_start3A_190 = arith.constant 0 : i32
      %dma_start3A_191 = tpu.memref_slice %arg7[%add3A_183, %dma_start3A_190] : memref<320000x128xf32, #tpu.memory_space<hbm>> -> memref<128x128xf32, #tpu.memory_space<hbm>>
      %dma_start3A_192 = arith.constant 0 : i32
      %dma_start3A_193 = arith.constant 0 : i32
      %dma_start3A_194 = tpu.memref_slice %arg14[%and3A_83, %dma_start3A_192, %dma_start3A_193] : memref<2x128x128xf32, #tpu.memory_space<vmem>> -> memref<1x128x128xf32, #tpu.memory_space<vmem>>
      %dma_start3A_195 = tpu.memref_squeeze %dma_start3A_194 : memref<1x128x128xf32, #tpu.memory_space<vmem>> -> memref<128x128xf32, #tpu.memory_space<vmem>>
      tpu.enqueue_dma source(%dma_start3A_195 : memref<128x128xf32, #tpu.memory_space<vmem>>) target(%dma_start3A_191 : memref<128x128xf32, #tpu.memory_space<hbm>>) target_semaphore(%arg19 : memref<!tpu.dma_semaphore, #tpu.memory_space<semaphore_mem>>)
      %mul3A_196 = arith.constant 128 : i32
      %mul3A_197 = arith.muli %scan3A_82, %mul3A_196 : i32
      %add3A_198 = arith.addi %mul3A_2, %mul3A_197 : i32
      %dma_start3A_199 = arith.constant 0 : i32
      %dma_start3A_200 = arith.constant 0 : i32
      %dma_start3A_201 = tpu.memref_slice %arg15[%and3A_83, %dma_start3A_199, %dma_start3A_200] : memref<2x128x128xf32, #tpu.memory_space<vmem>> -> memref<1x128x128xf32, #tpu.memory_space<vmem>>
      %dma_start3A_202 = tpu.memref_squeeze %dma_start3A_201 : memref<1x128x128xf32, #tpu.memory_space<vmem>> -> memref<128x128xf32, #tpu.memory_space<vmem>>
      %dma_start3A_203 = arith.constant 0 : i32
      %dma_start3A_204 = tpu.memref_slice %arg8[%add3A_198, %dma_start3A_203] : memref<320000x128xf32, #tpu.memory_space<hbm>> -> memref<128x128xf32, #tpu.memory_space<hbm>>
      %dma_start3A_205 = arith.constant 0 : i32
      %dma_start3A_206 = tpu.memref_slice %arg8[%add3A_198, %dma_start3A_205] : memref<320000x128xf32, #tpu.memory_space<hbm>> -> memref<128x128xf32, #tpu.memory_space<hbm>>
      %dma_start3A_207 = arith.constant 0 : i32
      %dma_start3A_208 = arith.constant 0 : i32
      %dma_start3A_209 = tpu.memref_slice %arg15[%and3A_83, %dma_start3A_207, %dma_start3A_208] : memref<2x128x128xf32, #tpu.memory_space<vmem>> -> memref<1x128x128xf32, #tpu.memory_space<vmem>>
      %dma_start3A_210 = tpu.memref_squeeze %dma_start3A_209 : memref<1x128x128xf32, #tpu.memory_space<vmem>> -> memref<128x128xf32, #tpu.memory_space<vmem>>
      tpu.enqueue_dma source(%dma_start3A_210 : memref<128x128xf32, #tpu.memory_space<vmem>>) target(%dma_start3A_206 : memref<128x128xf32, #tpu.memory_space<hbm>>) target_semaphore(%arg19 : memref<!tpu.dma_semaphore, #tpu.memory_space<semaphore_mem>>)
    }
    %scan3A_26 = arith.constant 78 : i32
    %dma_wait3A = arith.constant 1 : i32
    %dma_wait3A_27 = arith.constant 0 : i32
    %dma_wait3A_28 = arith.constant 0 : i32
    %dma_wait3A_29 = tpu.memref_slice %arg14[%dma_wait3A, %dma_wait3A_27, %dma_wait3A_28] : memref<2x128x128xf32, #tpu.memory_space<vmem>> -> memref<1x128x128xf32, #tpu.memory_space<vmem>>
    %dma_wait3A_30 = tpu.memref_squeeze %dma_wait3A_29 : memref<1x128x128xf32, #tpu.memory_space<vmem>> -> memref<128x128xf32, #tpu.memory_space<vmem>>
    %dma_wait3A_31 = arith.constant 0 : i32
    %dma_wait3A_32 = arith.constant 0 : i32
    %dma_wait3A_33 = tpu.memref_slice %arg7[%dma_wait3A_31, %dma_wait3A_32] : memref<320000x128xf32, #tpu.memory_space<hbm>> -> memref<128x128xf32, #tpu.memory_space<hbm>>
    %dma_wait3A_34 = arith.constant 0 : i32
    %dma_wait3A_35 = arith.constant 0 : i32
    %dma_wait3A_36 = tpu.memref_slice %arg7[%dma_wait3A_34, %dma_wait3A_35] : memref<320000x128xf32, #tpu.memory_space<hbm>> -> memref<128x128xf32, #tpu.memory_space<hbm>>
    %dma_wait3A_37 = arith.constant 0 : i32
    %dma_wait3A_38 = arith.constant 0 : i32
    %dma_wait3A_39 = tpu.memref_slice %arg14[%dma_wait3A, %dma_wait3A_37, %dma_wait3A_38] : memref<2x128x128xf32, #tpu.memory_space<vmem>> -> memref<1x128x128xf32, #tpu.memory_space<vmem>>
    %dma_wait3A_40 = tpu.memref_squeeze %dma_wait3A_39 : memref<1x128x128xf32, #tpu.memory_space<vmem>> -> memref<128x128xf32, #tpu.memory_space<vmem>>
    tpu.wait_dma2 semaphore(%arg19 : memref<!tpu.dma_semaphore, #tpu.memory_space<semaphore_mem>>) src(%dma_wait3A_40 : memref<128x128xf32, #tpu.memory_space<vmem>>) dst(%dma_wait3A_36 : memref<128x128xf32, #tpu.memory_space<hbm>>)
    %dma_wait3A_41 = arith.constant 1 : i32
    %dma_wait3A_42 = arith.constant 0 : i32
    %dma_wait3A_43 = arith.constant 0 : i32
    %dma_wait3A_44 = tpu.memref_slice %arg15[%dma_wait3A_41, %dma_wait3A_42, %dma_wait3A_43] : memref<2x128x128xf32, #tpu.memory_space<vmem>> -> memref<1x128x128xf32, #tpu.memory_space<vmem>>
    %dma_wait3A_45 = tpu.memref_squeeze %dma_wait3A_44 : memref<1x128x128xf32, #tpu.memory_space<vmem>> -> memref<128x128xf32, #tpu.memory_space<vmem>>
    %dma_wait3A_46 = arith.constant 0 : i32
    %dma_wait3A_47 = arith.constant 0 : i32
    %dma_wait3A_48 = tpu.memref_slice %arg8[%dma_wait3A_46, %dma_wait3A_47] : memref<320000x128xf32, #tpu.memory_space<hbm>> -> memref<128x128xf32, #tpu.memory_space<hbm>>
    %dma_wait3A_49 = arith.constant 0 : i32
    %dma_wait3A_50 = arith.constant 0 : i32
    %dma_wait3A_51 = tpu.memref_slice %arg8[%dma_wait3A_49, %dma_wait3A_50] : memref<320000x128xf32, #tpu.memory_space<hbm>> -> memref<128x128xf32, #tpu.memory_space<hbm>>
    %dma_wait3A_52 = arith.constant 0 : i32
    %dma_wait3A_53 = arith.constant 0 : i32
    %dma_wait3A_54 = tpu.memref_slice %arg15[%dma_wait3A_41, %dma_wait3A_52, %dma_wait3A_53] : memref<2x128x128xf32, #tpu.memory_space<vmem>> -> memref<1x128x128xf32, #tpu.memory_space<vmem>>
    %dma_wait3A_55 = tpu.memref_squeeze %dma_wait3A_54 : memref<1x128x128xf32, #tpu.memory_space<vmem>> -> memref<128x128xf32, #tpu.memory_space<vmem>>
    tpu.wait_dma2 semaphore(%arg19 : memref<!tpu.dma_semaphore, #tpu.memory_space<semaphore_mem>>) src(%dma_wait3A_55 : memref<128x128xf32, #tpu.memory_space<vmem>>) dst(%dma_wait3A_51 : memref<128x128xf32, #tpu.memory_space<hbm>>)
    %dma_start3A_56 = arith.constant 9984 : i32
    %dma_start3A_57 = tpu.memref_slice %arg10[%dma_start3A_56] : memref<10000xi32, #tpu.memory_space<vmem>> -> memref<16xi32, #tpu.memory_space<vmem>>
    %dma_start3A_58 = arith.constant 0 : i32
    %dma_start3A_59 = arith.constant 0 : i32
    %dma_start3A_60 = tpu.memref_slice %arg2[%dma_start3A_58, %dma_start3A_59] : memref<10000x128xf32, #tpu.memory_space<hbm>> -> memref<10000x128xf32, #tpu.memory_space<hbm>>
    tpu.enqueue_indirect_dma source(%dma_start3A_60 : memref<10000x128xf32, #tpu.memory_space<hbm>>) target(%arg16 : memref<16x128xf32, #tpu.memory_space<vmem>>) offsets(%dma_start3A_57 : memref<16xi32, #tpu.memory_space<vmem>>) semaphore(%arg18 : memref<!tpu.dma_semaphore, #tpu.memory_space<semaphore_mem>>)
    %dma_start3A_61 = arith.constant 9984 : i32
    %dma_start3A_62 = tpu.memref_slice %arg11[%dma_start3A_61] : memref<10000xi32, #tpu.memory_space<vmem>> -> memref<16xi32, #tpu.memory_space<vmem>>
    %dma_start3A_63 = arith.constant 0 : i32
    %dma_start3A_64 = arith.constant 0 : i32
    %dma_start3A_65 = tpu.memref_slice %arg3[%dma_start3A_63, %dma_start3A_64] : memref<10000x128xf32, #tpu.memory_space<hbm>> -> memref<10000x128xf32, #tpu.memory_space<hbm>>
    tpu.enqueue_indirect_dma source(%dma_start3A_65 : memref<10000x128xf32, #tpu.memory_space<hbm>>) target(%arg17 : memref<16x128xf32, #tpu.memory_space<vmem>>) offsets(%dma_start3A_62 : memref<16xi32, #tpu.memory_space<vmem>>) semaphore(%arg18 : memref<!tpu.dma_semaphore, #tpu.memory_space<semaphore_mem>>)
    %dma_wait3A_66 = arith.constant 9984 : i32
    %dma_wait3A_67 = tpu.memref_slice %arg10[%dma_wait3A_66] : memref<10000xi32, #tpu.memory_space<vmem>> -> memref<16xi32, #tpu.memory_space<vmem>>
    %dma_wait3A_68 = arith.constant 0 : i32
    %dma_wait3A_69 = arith.constant 0 : i32
    %dma_wait3A_70 = tpu.memref_slice %arg2[%dma_wait3A_68, %dma_wait3A_69] : memref<10000x128xf32, #tpu.memory_space<hbm>> -> memref<10000x128xf32, #tpu.memory_space<hbm>>
    tpu.wait_indirect_dma semaphore(%arg18 : memref<!tpu.dma_semaphore, #tpu.memory_space<semaphore_mem>>) src(%dma_wait3A_70 : memref<10000x128xf32, #tpu.memory_space<hbm>>) dst(%arg16 : memref<16x128xf32, #tpu.memory_space<vmem>>)
    %dma_wait3A_71 = arith.constant 9984 : i32
    %dma_wait3A_72 = tpu.memref_slice %arg11[%dma_wait3A_71] : memref<10000xi32, #tpu.memory_space<vmem>> -> memref<16xi32, #tpu.memory_space<vmem>>
    %dma_wait3A_73 = arith.constant 0 : i32
    %dma_wait3A_74 = arith.constant 0 : i32
    %dma_wait3A_75 = tpu.memref_slice %arg3[%dma_wait3A_73, %dma_wait3A_74] : memref<10000x128xf32, #tpu.memory_space<hbm>> -> memref<10000x128xf32, #tpu.memory_space<hbm>>
    tpu.wait_indirect_dma semaphore(%arg18 : memref<!tpu.dma_semaphore, #tpu.memory_space<semaphore_mem>>) src(%dma_wait3A_75 : memref<10000x128xf32, #tpu.memory_space<hbm>>) dst(%arg17 : memref<16x128xf32, #tpu.memory_space<vmem>>)
    %get3A = arith.constant 9984 : index
    %get3A_76 = tpu.vector_load %arg10[%get3A] {strides = array<i32>} : memref<10000xi32, #tpu.memory_space<vmem>>, vector<16xi32>,
    %gather3A = tpu.vector_load_idx %arg13[%get3A_76] : memref<10000xi32, #tpu.memory_space<vmem>>[vector<16xi32>], vector<16xi32>,
    %swap3A = arith.constant 9984 : index
    %swap3A_77 = tpu.vector_load %arg12[%swap3A] {strides = array<i32>} : memref<10000xi32, #tpu.memory_space<vmem>>, vector<16xi32>,
    tpu.vector_store %arg12[%swap3A], %gather3A {strides = array<i32>} : memref<10000xi32, #tpu.memory_space<vmem>>, vector<16xi32>,
    %add3A_78 = arith.constant 9984 : i32
    %add3A_79 = arith.addi %mul3A_2, %add3A_78 : i32
    "tpu.region"() ({
      %run_scoped3A = tpu.sem_alloc : memref<!tpu.dma_semaphore, #tpu.memory_space<semaphore_mem>>
      %dma_start3A_82 = arith.constant 0 : i32
      %dma_start3A_83 = tpu.memref_slice %arg7[%add3A_79, %dma_start3A_82] : memref<320000x128xf32, #tpu.memory_space<hbm>> -> memref<16x128xf32, #tpu.memory_space<hbm>>
      %dma_start3A_84 = arith.constant 0 : i32
      %dma_start3A_85 = tpu.memref_slice %arg7[%add3A_79, %dma_start3A_84] : memref<320000x128xf32, #tpu.memory_space<hbm>> -> memref<16x128xf32, #tpu.memory_space<hbm>>
      tpu.enqueue_dma source(%arg16 : memref<16x128xf32, #tpu.memory_space<vmem>>) target(%dma_start3A_85 : memref<16x128xf32, #tpu.memory_space<hbm>>) target_semaphore(%run_scoped3A : memref<!tpu.dma_semaphore, #tpu.memory_space<semaphore_mem>>)
      %dma_wait3A_86 = arith.constant 0 : i32
      %dma_wait3A_87 = tpu.memref_slice %arg7[%add3A_79, %dma_wait3A_86] : memref<320000x128xf32, #tpu.memory_space<hbm>> -> memref<16x128xf32, #tpu.memory_space<hbm>>
      %dma_wait3A_88 = arith.constant 0 : i32
      %dma_wait3A_89 = tpu.memref_slice %arg7[%add3A_79, %dma_wait3A_88] : memref<320000x128xf32, #tpu.memory_space<hbm>> -> memref<16x128xf32, #tpu.memory_space<hbm>>
      tpu.wait_dma2 semaphore(%run_scoped3A : memref<!tpu.dma_semaphore, #tpu.memory_space<semaphore_mem>>) src(%arg16 : memref<16x128xf32, #tpu.memory_space<vmem>>) dst(%dma_wait3A_89 : memref<16x128xf32, #tpu.memory_space<hbm>>)
      tpu.yield
    }) : () -> ()
    %add3A_80 = arith.constant 9984 : i32
    %add3A_81 = arith.addi %mul3A_2, %add3A_80 : i32
    "tpu.region"() ({
      %run_scoped3A = tpu.sem_alloc : memref<!tpu.dma_semaphore, #tpu.memory_space<semaphore_mem>>
      %dma_start3A_82 = arith.constant 0 : i32
      %dma_start3A_83 = tpu.memref_slice %arg8[%add3A_81, %dma_start3A_82] : memref<320000x128xf32, #tpu.memory_space<hbm>> -> memref<16x128xf32, #tpu.memory_space<hbm>>
      %dma_start3A_84 = arith.constant 0 : i32
      %dma_start3A_85 = tpu.memref_slice %arg8[%add3A_81, %dma_start3A_84] : memref<320000x128xf32, #tpu.memory_space<hbm>> -> memref<16x128xf32, #tpu.memory_space<hbm>>
      tpu.enqueue_dma source(%arg17 : memref<16x128xf32, #tpu.memory_space<vmem>>) target(%dma_start3A_85 : memref<16x128xf32, #tpu.memory_space<hbm>>) target_semaphore(%run_scoped3A : memref<!tpu.dma_semaphore, #tpu.memory_space<semaphore_mem>>)
      %dma_wait3A_86 = arith.constant 0 : i32
      %dma_wait3A_87 = tpu.memref_slice %arg8[%add3A_81, %dma_wait3A_86] : memref<320000x128xf32, #tpu.memory_space<hbm>> -> memref<16x128xf32, #tpu.memory_space<hbm>>
      %dma_wait3A_88 = arith.constant 0 : i32
      %dma_wait3A_89 = tpu.memref_slice %arg8[%add3A_81, %dma_wait3A_88] : memref<320000x128xf32, #tpu.memory_space<hbm>> -> memref<16x128xf32, #tpu.memory_space<hbm>>
      tpu.wait_dma2 semaphore(%run_scoped3A : memref<!tpu.dma_semaphore, #tpu.memory_space<semaphore_mem>>) src(%arg17 : memref<16x128xf32, #tpu.memory_space<vmem>>) dst(%dma_wait3A_89 : memref<16x128xf32, #tpu.memory_space<hbm>>)
      tpu.yield
    }) : () -> ()
    "tpu.region"() ({
      %run_scoped3A = tpu.sem_alloc : memref<!tpu.dma_semaphore, #tpu.memory_space<semaphore_mem>>
      %dma_start3A_82 = tpu.memref_slice %arg9[%mul3A_2] : memref<320000xi32, #tpu.memory_space<hbm>> -> memref<10000xi32, #tpu.memory_space<hbm>>
      %dma_start3A_83 = tpu.memref_slice %arg9[%mul3A_2] : memref<320000xi32, #tpu.memory_space<hbm>> -> memref<10000xi32, #tpu.memory_space<hbm>>
      tpu.enqueue_dma source(%arg12 : memref<10000xi32, #tpu.memory_space<vmem>>) target(%dma_start3A_83 : memref<10000xi32, #tpu.memory_space<hbm>>) target_semaphore(%run_scoped3A : memref<!tpu.dma_semaphore, #tpu.memory_space<semaphore_mem>>)
      %dma_wait3A_84 = tpu.memref_slice %arg9[%mul3A_2] : memref<320000xi32, #tpu.memory_space<hbm>> -> memref<10000xi32, #tpu.memory_space<hbm>>
      %dma_wait3A_85 = tpu.memref_slice %arg9[%mul3A_2] : memref<320000xi32, #tpu.memory_space<hbm>> -> memref<10000xi32, #tpu.memory_space<hbm>>
      tpu.wait_dma2 semaphore(%run_scoped3A : memref<!tpu.dma_semaphore, #tpu.memory_space<semaphore_mem>>) src(%arg12 : memref<10000xi32, #tpu.memory_space<vmem>>) dst(%dma_wait3A_85 : memref<10000xi32, #tpu.memory_space<hbm>>)
      tpu.yield
    }) : () -> ()
    return
  }
}

module attributes {stable_mosaic.version = 14 : i64} {
  func.func @_pre_body(%arg0: i32, %arg1: memref<2000x128xf32, #tpu.memory_space<vmem>>, %arg2: memref<1x1x2000xi32, #tpu.memory_space<vmem>>, %arg3: memref<8x128xf32, #tpu.memory_space<vmem>>, %arg4: memref<128x128xf32, #tpu.memory_space<vmem>>, %arg5: memref<128x128xf32, #tpu.memory_space<vmem>>, %arg6: memref<128x128xf32, #tpu.memory_space<vmem>>, %arg7: memref<128xf32, #tpu.memory_space<vmem>>, %arg8: memref<2000x128xf32, #tpu.memory_space<vmem>>, %arg9: memref<2000x128xf32, #tpu.memory_space<vmem>>) attributes {dimension_semantics = [#tpu.dimension_semantics<arbitrary>], iteration_bounds = array<i64: 5>, scalar_prefetch = 0 : i64, scratch_operands = 0 : i64, tpu.core_type = #tpu.core_type<tc>, window_params = [{transform_indices = @transform_0, window_bounds = array<i64: 2000, 128>}, {transform_indices = @transform_1, window_bounds = array<i64: 1, 1, 2000>}, {pipeline_mode = #tpu.pipeline_mode<synchronous>, transform_indices = @transform_2, window_bounds = array<i64: 8, 128>}, {pipeline_mode = #tpu.pipeline_mode<synchronous>, transform_indices = @transform_3, window_bounds = array<i64: 128, 128>}, {pipeline_mode = #tpu.pipeline_mode<synchronous>, transform_indices = @transform_4, window_bounds = array<i64: 128, 128>}, {pipeline_mode = #tpu.pipeline_mode<synchronous>, transform_indices = @transform_5, window_bounds = array<i64: 128, 128>}, {pipeline_mode = #tpu.pipeline_mode<synchronous>, transform_indices = @transform_6, window_bounds = array<i64: 128>}, {transform_indices = @transform_7, window_bounds = array<i64: 2000, 128>}, {transform_indices = @transform_8, window_bounds = array<i64: 2000, 128>}]} {
    %get3A = arith.constant 0 : index
    %get3A_0 = arith.constant 0 : index
    %get3A_1 = vector.load %arg1[%get3A, %get3A_0] : memref<2000x128xf32, #tpu.memory_space<vmem>>, vector<2000x128xf32>
    %get3A_2 = arith.constant 0 : index
    %get3A_3 = arith.constant 0 : index
    %get3A_4 = arith.constant 0 : index
    %get3A_5 = vector.load %arg2[%get3A_2, %get3A_3, %get3A_4] : memref<1x1x2000xi32, #tpu.memory_space<vmem>>, vector<1x1x2000xi32>
    %get3A_6 = vector.shape_cast %get3A_5 : vector<1x1x2000xi32> to vector<2000xi32>
    %broadcast_in_dim3A = vector.shape_cast %get3A_6 : vector<2000xi32> to vector<2000x1xi32>
    %iota3A = tpu.iota {dimensions = array<i32: 1>} : vector<1x8xi32>
    %eq3A = vector.broadcast %broadcast_in_dim3A : vector<2000x1xi32> to vector<2000x8xi32>
    %eq3A_7 = vector.broadcast %iota3A : vector<1x8xi32> to vector<2000x8xi32>
    %eq3A_8 = arith.cmpi eq, %eq3A, %eq3A_7 : vector<2000x8xi32>
    %convert_element_type3A = arith.extui %eq3A_8 : vector<2000x8xi1> to vector<2000x8xi32>
    %convert_element_type3A_9 = arith.sitofp %convert_element_type3A : vector<2000x8xi32> to vector<2000x8xf32>
    %get3A_10 = arith.constant 0 : index
    %get3A_11 = arith.constant 0 : index
    %get3A_12 = vector.load %arg3[%get3A_10, %get3A_11] : memref<8x128xf32, #tpu.memory_space<vmem>>, vector<8x128xf32>
    %get3A_13 = arith.constant 0 : index
    %get3A_14 = arith.constant 0 : index
    %get3A_15 = vector.load %arg6[%get3A_13, %get3A_14] : memref<128x128xf32, #tpu.memory_space<vmem>>, vector<128x128xf32>
    %dot_general3A = arith.constant dense<0.000000e+00> : vector<8x128xf32>
    %dot_general3A_16 = tpu.matmul %get3A_12, %get3A_15, %dot_general3A {dimension_numbers = #tpu.dot_dimension_numbers<[1], [0], [0], [1], [0, 0, 1, 1], [], []>, transpose_lhs_hint = false} : vector<8x128xf32>, vector<128x128xf32>, vector<8x128xf32> -> vector<8x128xf32>
    %get3A_17 = arith.constant 0 : index
    %get3A_18 = vector.load %arg7[%get3A_17] : memref<128xf32, #tpu.memory_space<vmem>>, vector<128xf32>
    %broadcast_in_dim3A_19 = vector.shape_cast %get3A_18 : vector<128xf32> to vector<1x128xf32>
    %add3A = vector.broadcast %broadcast_in_dim3A_19 : vector<1x128xf32> to vector<8x128xf32>
    %add3A_20 = arith.addf %dot_general3A_16, %add3A : vector<8x128xf32>
    %get3A_21 = arith.constant 0 : index
    %get3A_22 = arith.constant 0 : index
    %get3A_23 = vector.load %arg4[%get3A_21, %get3A_22] : memref<128x128xf32, #tpu.memory_space<vmem>>, vector<128x128xf32>
    %dot_general3A_24 = arith.constant dense<0.000000e+00> : vector<2000x128xf32>
    %dot_general3A_25 = tpu.matmul %get3A_1, %get3A_23, %dot_general3A_24 {dimension_numbers = #tpu.dot_dimension_numbers<[1], [0], [0], [1], [0, 0, 1, 1], [], []>, transpose_lhs_hint = false} : vector<2000x128xf32>, vector<128x128xf32>, vector<2000x128xf32> -> vector<2000x128xf32>
    %dot_general3A_26 = arith.constant dense<0.000000e+00> : vector<2000x128xf32>
    %dot_general3A_27 = tpu.matmul %convert_element_type3A_9, %add3A_20, %dot_general3A_26 {dimension_numbers = #tpu.dot_dimension_numbers<[1], [0], [0], [1], [0, 0, 1, 1], [], []>, transpose_lhs_hint = false} : vector<2000x8xf32>, vector<8x128xf32>, vector<2000x128xf32> -> vector<2000x128xf32>
    %add3A_28 = arith.addf %dot_general3A_25, %dot_general3A_27 : vector<2000x128xf32>
    %swap3A = arith.constant 0 : index
    %swap3A_29 = arith.constant 0 : index
    %swap3A_30 = vector.load %arg8[%swap3A, %swap3A_29] : memref<2000x128xf32, #tpu.memory_space<vmem>>, vector<2000x128xf32>
    tpu.vector_store %arg8[%swap3A, %swap3A_29], %add3A_28 {strides = array<i32>} : memref<2000x128xf32, #tpu.memory_space<vmem>>, vector<2000x128xf32>,
    %get3A_31 = arith.constant 0 : index
    %get3A_32 = arith.constant 0 : index
    %get3A_33 = vector.load %arg5[%get3A_31, %get3A_32] : memref<128x128xf32, #tpu.memory_space<vmem>>, vector<128x128xf32>
    %dot_general3A_34 = arith.constant dense<0.000000e+00> : vector<2000x128xf32>
    %dot_general3A_35 = tpu.matmul %get3A_1, %get3A_33, %dot_general3A_34 {dimension_numbers = #tpu.dot_dimension_numbers<[1], [0], [0], [1], [0, 0, 1, 1], [], []>, transpose_lhs_hint = false} : vector<2000x128xf32>, vector<128x128xf32>, vector<2000x128xf32> -> vector<2000x128xf32>
    %swap3A_36 = arith.constant 0 : index
    %swap3A_37 = arith.constant 0 : index
    %swap3A_38 = vector.load %arg9[%swap3A_36, %swap3A_37] : memref<2000x128xf32, #tpu.memory_space<vmem>>, vector<2000x128xf32>
    tpu.vector_store %arg9[%swap3A_36, %swap3A_37], %dot_general3A_35 {strides = array<i32>} : memref<2000x128xf32, #tpu.memory_space<vmem>>, vector<2000x128xf32>,
    return
  }
  func.func @transform_0(%arg0: i32) -> (i32, i32) {
    %c0_i32 = arith.constant 0 : i32
    %c0_i32_0 = arith.constant 0 : i32
    return %arg0, %c0_i32 : i32, i32
  }
  func.func @transform_1(%arg0: i32) -> (i32, i32, i32) {
    %c0_i32 = arith.constant 0 : i32
    %c0_i32_0 = arith.constant 0 : i32
    %c0_i32_1 = arith.constant 0 : i32
    return %arg0, %c0_i32, %c0_i32_0 : i32, i32, i32
  }
  func.func @transform_2(%arg0: i32) -> (i32, i32) {
    %c0_i32 = arith.constant 0 : i32
    %c0_i32_0 = arith.constant 0 : i32
    %c0_i32_1 = arith.constant 0 : i32
    return %c0_i32, %c0_i32_0 : i32, i32
  }
  func.func @transform_3(%arg0: i32) -> (i32, i32) {
    %c0_i32 = arith.constant 0 : i32
    %c0_i32_0 = arith.constant 0 : i32
    %c0_i32_1 = arith.constant 0 : i32
    return %c0_i32, %c0_i32_0 : i32, i32
  }
  func.func @transform_4(%arg0: i32) -> (i32, i32) {
    %c0_i32 = arith.constant 0 : i32
    %c0_i32_0 = arith.constant 0 : i32
    %c0_i32_1 = arith.constant 0 : i32
    return %c0_i32, %c0_i32_0 : i32, i32
  }
  func.func @transform_5(%arg0: i32) -> (i32, i32) {
    %c0_i32 = arith.constant 0 : i32
    %c0_i32_0 = arith.constant 0 : i32
    %c0_i32_1 = arith.constant 0 : i32
    return %c0_i32, %c0_i32_0 : i32, i32
  }
  func.func @transform_6(%arg0: i32) -> i32 {
    %c0_i32 = arith.constant 0 : i32
    %c0_i32_0 = arith.constant 0 : i32
    return %c0_i32 : i32
  }
  func.func @transform_7(%arg0: i32) -> (i32, i32) {
    %c0_i32 = arith.constant 0 : i32
    %c0_i32_0 = arith.constant 0 : i32
    return %arg0, %c0_i32 : i32, i32
  }
  func.func @transform_8(%arg0: i32) -> (i32, i32) {
    %c0_i32 = arith.constant 0 : i32
    %c0_i32_0 = arith.constant 0 : i32
    return %arg0, %c0_i32 : i32, i32
  }
}

module attributes {stable_mosaic.version = 14 : i64} {
  func.func @body(%arg0: i32, %arg1: memref<6400x128xf32, #tpu.memory_space<vmem>>, %arg2: memref<6400x128xf32, #tpu.memory_space<vmem>>, %arg3: memref<6400x128xf32, #tpu.memory_space<vmem>>, %arg4: memref<1x1x6400xi32, #tpu.memory_space<vmem>>, %arg5: memref<128x128xf32, #tpu.memory_space<vmem>>, %arg6: memref<128x128xf32, #tpu.memory_space<vmem>>, %arg7: memref<128xf32, #tpu.memory_space<vmem>>, %arg8: memref<6400x128xf32, #tpu.memory_space<vmem>>, %arg9: memref<8x128xf32, #tpu.memory_space<vmem>>, %arg10: memref<8x128xf32, #tpu.memory_space<vmem>>) attributes {dimension_semantics = [#tpu.dimension_semantics<arbitrary>], iteration_bounds = array<i64: 50>, scalar_prefetch = 0 : i64, scratch_operands = 1 : i64, tpu.core_type = #tpu.core_type<tc>, window_params = [{transform_indices = @transform_0, window_bounds = array<i64: 6400, 128>}, {transform_indices = @transform_1, window_bounds = array<i64: 6400, 128>}, {transform_indices = @transform_2, window_bounds = array<i64: 6400, 128>}, {transform_indices = @transform_3, window_bounds = array<i64: 1, 1, 6400>}, {pipeline_mode = #tpu.pipeline_mode<synchronous>, transform_indices = @transform_4, window_bounds = array<i64: 128, 128>}, {pipeline_mode = #tpu.pipeline_mode<synchronous>, transform_indices = @transform_5, window_bounds = array<i64: 128, 128>}, {pipeline_mode = #tpu.pipeline_mode<synchronous>, transform_indices = @transform_6, window_bounds = array<i64: 128>}, {transform_indices = @transform_7, window_bounds = array<i64: 6400, 128>}, {pipeline_mode = #tpu.pipeline_mode<synchronous>, transform_indices = @transform_8, window_bounds = array<i64: 8, 128>}]} {
    %get3A = arith.constant 0 : index
    %get3A_0 = arith.constant 0 : index
    %get3A_1 = vector.load %arg1[%get3A, %get3A_0] : memref<6400x128xf32, #tpu.memory_space<vmem>>, vector<6400x128xf32>
    %get3A_2 = arith.constant 0 : index
    %get3A_3 = arith.constant 0 : index
    %get3A_4 = vector.load %arg2[%get3A_2, %get3A_3] : memref<6400x128xf32, #tpu.memory_space<vmem>>, vector<6400x128xf32>
    %get3A_5 = arith.constant 0 : index
    %get3A_6 = arith.constant 0 : index
    %get3A_7 = vector.load %arg3[%get3A_5, %get3A_6] : memref<6400x128xf32, #tpu.memory_space<vmem>>, vector<6400x128xf32>
    %add3A = arith.addf %get3A_4, %get3A_7 : vector<6400x128xf32>
    %get3A_8 = arith.constant 0 : index
    %get3A_9 = arith.constant 0 : index
    %get3A_10 = vector.load %arg5[%get3A_8, %get3A_9] : memref<128x128xf32, #tpu.memory_space<vmem>>, vector<128x128xf32>
    %dot_general3A = arith.constant dense<0.000000e+00> : vector<6400x128xf32>
    %dot_general3A_11 = tpu.matmul %get3A_1, %get3A_10, %dot_general3A {dimension_numbers = #tpu.dot_dimension_numbers<[1], [0], [0], [1], [0, 0, 1, 1], [], []>, transpose_lhs_hint = false} : vector<6400x128xf32>, vector<128x128xf32>, vector<6400x128xf32> -> vector<6400x128xf32>
    %add3A_12 = arith.addf %add3A, %dot_general3A_11 : vector<6400x128xf32>
    %max3A = arith.constant 0.000000e+00 : f32
    %max3A_13 = vector.broadcast %max3A : f32 to vector<6400x128xf32>
    %max3A_14 = arith.maximumf %add3A_12, %max3A_13 : vector<6400x128xf32>
    %get3A_15 = arith.constant 0 : index
    %get3A_16 = arith.constant 0 : index
    %get3A_17 = vector.load %arg6[%get3A_15, %get3A_16] : memref<128x128xf32, #tpu.memory_space<vmem>>, vector<128x128xf32>
    %dot_general3A_18 = arith.constant dense<0.000000e+00> : vector<6400x128xf32>
    %dot_general3A_19 = tpu.matmul %max3A_14, %get3A_17, %dot_general3A_18 {dimension_numbers = #tpu.dot_dimension_numbers<[1], [0], [0], [1], [0, 0, 1, 1], [], []>, transpose_lhs_hint = false} : vector<6400x128xf32>, vector<128x128xf32>, vector<6400x128xf32> -> vector<6400x128xf32>
    %add3A_20 = arith.addf %get3A_1, %dot_general3A_19 : vector<6400x128xf32>
    %get3A_21 = arith.constant 0 : index
    %get3A_22 = vector.load %arg7[%get3A_21] : memref<128xf32, #tpu.memory_space<vmem>>, vector<128xf32>
    %broadcast_in_dim3A = vector.shape_cast %get3A_22 : vector<128xf32> to vector<1x128xf32>
    %add3A_23 = vector.broadcast %broadcast_in_dim3A : vector<1x128xf32> to vector<6400x128xf32>
    %add3A_24 = arith.addf %add3A_20, %add3A_23 : vector<6400x128xf32>
    %swap3A = arith.constant 0 : index
    %swap3A_25 = arith.constant 0 : index
    %swap3A_26 = vector.load %arg8[%swap3A, %swap3A_25] : memref<6400x128xf32, #tpu.memory_space<vmem>>, vector<6400x128xf32>
    tpu.vector_store %arg8[%swap3A, %swap3A_25], %add3A_24 {strides = array<i32>} : memref<6400x128xf32, #tpu.memory_space<vmem>>, vector<6400x128xf32>,
    %get3A_27 = arith.constant 0 : index
    %get3A_28 = arith.constant 0 : index
    %get3A_29 = arith.constant 0 : index
    %get3A_30 = vector.load %arg4[%get3A_27, %get3A_28, %get3A_29] : memref<1x1x6400xi32, #tpu.memory_space<vmem>>, vector<1x1x6400xi32>
    %get3A_31 = vector.shape_cast %get3A_30 : vector<1x1x6400xi32> to vector<6400xi32>
    %broadcast_in_dim3A_32 = vector.shape_cast %get3A_31 : vector<6400xi32> to vector<6400x1xi32>
    %iota3A = tpu.iota {dimensions = array<i32: 1>} : vector<1x8xi32>
    %eq3A = vector.broadcast %broadcast_in_dim3A_32 : vector<6400x1xi32> to vector<6400x8xi32>
    %eq3A_33 = vector.broadcast %iota3A : vector<1x8xi32> to vector<6400x8xi32>
    %eq3A_34 = arith.cmpi eq, %eq3A, %eq3A_33 : vector<6400x8xi32>
    %convert_element_type3A = arith.extui %eq3A_34 : vector<6400x8xi1> to vector<6400x8xi32>
    %convert_element_type3A_35 = arith.sitofp %convert_element_type3A : vector<6400x8xi32> to vector<6400x8xf32>
    %eq3A_36 = arith.constant 0 : i32
    %eq3A_37 = arith.cmpi eq, %arg0, %eq3A_36 : i32
    %convert_element_type3A_38 = arith.extui %eq3A_37 : i1 to i32
    %cond3A = arith.constant 0 : i32
    %cond3A_39 = arith.cmpi ne, %convert_element_type3A_38, %cond3A : i32
    scf.if %cond3A_39 {
      %broadcast_in_dim3A_54 = arith.constant 0.000000e+00 : f32
      %broadcast_in_dim3A_55 = vector.broadcast %broadcast_in_dim3A_54 : f32 to vector<8x128xf32>
      %swap3A_56 = arith.constant 0 : index
      %swap3A_57 = arith.constant 0 : index
      %swap3A_58 = vector.load %arg10[%swap3A_56, %swap3A_57] : memref<8x128xf32, #tpu.memory_space<vmem>>, vector<8x128xf32>
      tpu.vector_store %arg10[%swap3A_56, %swap3A_57], %broadcast_in_dim3A_55 {strides = array<i32>} : memref<8x128xf32, #tpu.memory_space<vmem>>, vector<8x128xf32>,
    } else {
    }
    %get3A_40 = arith.constant 0 : index
    %get3A_41 = arith.constant 0 : index
    %get3A_42 = vector.load %arg10[%get3A_40, %get3A_41] : memref<8x128xf32, #tpu.memory_space<vmem>>, vector<8x128xf32>
    %dot_general3A_43 = arith.constant dense<0.000000e+00> : vector<8x128xf32>
    %dot_general3A_44 = tpu.matmul %convert_element_type3A_35, %add3A_24, %dot_general3A_43 {dimension_numbers = #tpu.dot_dimension_numbers<[0], [0], [1], [1], [0, 1, 1, 1], [], []>, transpose_lhs_hint = false} : vector<6400x8xf32>, vector<6400x128xf32>, vector<8x128xf32> -> vector<8x128xf32>
    %add3A_45 = arith.addf %get3A_42, %dot_general3A_44 : vector<8x128xf32>
    %swap3A_46 = arith.constant 0 : index
    %swap3A_47 = arith.constant 0 : index
    %swap3A_48 = vector.load %arg10[%swap3A_46, %swap3A_47] : memref<8x128xf32, #tpu.memory_space<vmem>>, vector<8x128xf32>
    tpu.vector_store %arg10[%swap3A_46, %swap3A_47], %add3A_45 {strides = array<i32>} : memref<8x128xf32, #tpu.memory_space<vmem>>, vector<8x128xf32>,
    %eq3A_49 = arith.constant 49 : i32
    %eq3A_50 = arith.cmpi eq, %arg0, %eq3A_49 : i32
    %convert_element_type3A_51 = arith.extui %eq3A_50 : i1 to i32
    %cond3A_52 = arith.constant 0 : i32
    %cond3A_53 = arith.cmpi ne, %convert_element_type3A_51, %cond3A_52 : i32
    scf.if %cond3A_53 {
      %get3A_54 = arith.constant 0 : index
      %get3A_55 = arith.constant 0 : index
      %get3A_56 = vector.load %arg10[%get3A_54, %get3A_55] : memref<8x128xf32, #tpu.memory_space<vmem>>, vector<8x128xf32>
      %swap3A_57 = arith.constant 0 : index
      %swap3A_58 = arith.constant 0 : index
      %swap3A_59 = vector.load %arg9[%swap3A_57, %swap3A_58] : memref<8x128xf32, #tpu.memory_space<vmem>>, vector<8x128xf32>
      tpu.vector_store %arg9[%swap3A_57, %swap3A_58], %get3A_56 {strides = array<i32>} : memref<8x128xf32, #tpu.memory_space<vmem>>, vector<8x128xf32>,
    } else {
    }
    return
  }
  func.func @transform_0(%arg0: i32) -> (i32, i32) {
    %add3A = arith.constant 0 : i32
    %add3A_0 = arith.addi %arg0, %add3A : i32
    %c0_i32 = arith.constant 0 : i32
    %c0_i32_1 = arith.constant 0 : i32
    return %add3A_0, %c0_i32 : i32, i32
  }
  func.func @transform_1(%arg0: i32) -> (i32, i32) {
    %c0_i32 = arith.constant 0 : i32
    %c0_i32_0 = arith.constant 0 : i32
    return %arg0, %c0_i32 : i32, i32
  }
  func.func @transform_2(%arg0: i32) -> (i32, i32) {
    %c0_i32 = arith.constant 0 : i32
    %c0_i32_0 = arith.constant 0 : i32
    return %arg0, %c0_i32 : i32, i32
  }
  func.func @transform_3(%arg0: i32) -> (i32, i32, i32) {
    %c0_i32 = arith.constant 0 : i32
    %c0_i32_0 = arith.constant 0 : i32
    %c0_i32_1 = arith.constant 0 : i32
    return %arg0, %c0_i32, %c0_i32_0 : i32, i32, i32
  }
  func.func @transform_4(%arg0: i32) -> (i32, i32) {
    %c0_i32 = arith.constant 0 : i32
    %c0_i32_0 = arith.constant 0 : i32
    %c0_i32_1 = arith.constant 0 : i32
    return %c0_i32, %c0_i32_0 : i32, i32
  }
  func.func @transform_5(%arg0: i32) -> (i32, i32) {
    %c0_i32 = arith.constant 0 : i32
    %c0_i32_0 = arith.constant 0 : i32
    %c0_i32_1 = arith.constant 0 : i32
    return %c0_i32, %c0_i32_0 : i32, i32
  }
  func.func @transform_6(%arg0: i32) -> i32 {
    %c0_i32 = arith.constant 0 : i32
    %c0_i32_0 = arith.constant 0 : i32
    return %c0_i32 : i32
  }
  func.func @transform_7(%arg0: i32) -> (i32, i32) {
    %add3A = arith.constant 0 : i32
    %add3A_0 = arith.addi %arg0, %add3A : i32
    %c0_i32 = arith.constant 0 : i32
    %c0_i32_1 = arith.constant 0 : i32
    return %add3A_0, %c0_i32 : i32, i32
  }
  func.func @transform_8(%arg0: i32) -> (i32, i32) {
    %c0_i32 = arith.constant 0 : i32
    %c0_i32_0 = arith.constant 0 : i32
    %c0_i32_1 = arith.constant 0 : i32
    return %c0_i32, %c0_i32_0 : i32, i32
  }
}

module attributes {stable_mosaic.version = 14 : i64} {
  func.func @_node_body(%arg0: i32, %arg1: memref<2000x128xf32, #tpu.memory_space<vmem>>, %arg2: memref<2000x128xf32, #tpu.memory_space<vmem>>, %arg3: memref<2000x128xf32, #tpu.memory_space<vmem>>, %arg4: memref<1x1x2000xi32, #tpu.memory_space<vmem>>, %arg5: memref<8x128xf32, #tpu.memory_space<vmem>>, %arg6: memref<8x128xf32, #tpu.memory_space<vmem>>, %arg7: memref<128x128xf32, #tpu.memory_space<vmem>>, %arg8: memref<128x128xf32, #tpu.memory_space<vmem>>, %arg9: memref<128x128xf32, #tpu.memory_space<vmem>>, %arg10: memref<128xf32, #tpu.memory_space<vmem>>, %arg11: memref<128x128xf32, #tpu.memory_space<vmem>>, %arg12: memref<128xf32, #tpu.memory_space<vmem>>, %arg13: memref<128x128xf32, #tpu.memory_space<vmem>>, %arg14: memref<128x128xf32, #tpu.memory_space<vmem>>, %arg15: memref<128x128xf32, #tpu.memory_space<vmem>>, %arg16: memref<128xf32, #tpu.memory_space<vmem>>, %arg17: memref<128x128xf32, #tpu.memory_space<vmem>>, %arg18: memref<128xf32, #tpu.memory_space<vmem>>, %arg19: memref<2000x128xf32, #tpu.memory_space<vmem>>, %arg20: memref<8x128xf32, #tpu.memory_space<vmem>>, %arg21: memref<8x128xf32, #tpu.memory_space<vmem>>) attributes {dimension_semantics = [#tpu.dimension_semantics<arbitrary>], iteration_bounds = array<i64: 5>, scalar_prefetch = 0 : i64, scratch_operands = 1 : i64, tpu.core_type = #tpu.core_type<tc>, window_params = [{transform_indices = @transform_0, window_bounds = array<i64: 2000, 128>}, {transform_indices = @transform_1, window_bounds = array<i64: 2000, 128>}, {transform_indices = @transform_2, window_bounds = array<i64: 2000, 128>}, {transform_indices = @transform_3, window_bounds = array<i64: 1, 1, 2000>}, {pipeline_mode = #tpu.pipeline_mode<synchronous>, transform_indices = @transform_4, window_bounds = array<i64: 8, 128>}, {pipeline_mode = #tpu.pipeline_mode<synchronous>, transform_indices = @transform_5, window_bounds = array<i64: 8, 128>}, {pipeline_mode = #tpu.pipeline_mode<synchronous>, transform_indices = @transform_6, window_bounds = array<i64: 128, 128>}, {pipeline_mode = #tpu.pipeline_mode<synchronous>, transform_indices = @transform_7, window_bounds = array<i64: 128, 128>}, {pipeline_mode = #tpu.pipeline_mode<synchronous>, transform_indices = @transform_8, window_bounds = array<i64: 128, 128>}, {pipeline_mode = #tpu.pipeline_mode<synchronous>, transform_indices = @transform_9, window_bounds = array<i64: 128>}, {pipeline_mode = #tpu.pipeline_mode<synchronous>, transform_indices = @transform_10, window_bounds = array<i64: 128, 128>}, {pipeline_mode = #tpu.pipeline_mode<synchronous>, transform_indices = @transform_11, window_bounds = array<i64: 128>}, {pipeline_mode = #tpu.pipeline_mode<synchronous>, transform_indices = @transform_12, window_bounds = array<i64: 128, 128>}, {pipeline_mode = #tpu.pipeline_mode<synchronous>, transform_indices = @transform_13, window_bounds = array<i64: 128, 128>}, {pipeline_mode = #tpu.pipeline_mode<synchronous>, transform_indices = @transform_14, window_bounds = array<i64: 128, 128>}, {pipeline_mode = #tpu.pipeline_mode<synchronous>, transform_indices = @transform_15, window_bounds = array<i64: 128>}, {pipeline_mode = #tpu.pipeline_mode<synchronous>, transform_indices = @transform_16, window_bounds = array<i64: 128, 128>}, {pipeline_mode = #tpu.pipeline_mode<synchronous>, transform_indices = @transform_17, window_bounds = array<i64: 128>}, {transform_indices = @transform_18, window_bounds = array<i64: 2000, 128>}, {pipeline_mode = #tpu.pipeline_mode<synchronous>, transform_indices = @transform_19, window_bounds = array<i64: 8, 128>}]} {
    %get3A = arith.constant 0 : index
    %get3A_0 = arith.constant 0 : index
    %get3A_1 = vector.load %arg1[%get3A, %get3A_0] : memref<2000x128xf32, #tpu.memory_space<vmem>>, vector<2000x128xf32>
    %get3A_2 = arith.constant 0 : index
    %get3A_3 = arith.constant 0 : index
    %get3A_4 = vector.load %arg2[%get3A_2, %get3A_3] : memref<2000x128xf32, #tpu.memory_space<vmem>>, vector<2000x128xf32>
    %get3A_5 = arith.constant 0 : index
    %get3A_6 = arith.constant 0 : index
    %get3A_7 = vector.load %arg3[%get3A_5, %get3A_6] : memref<2000x128xf32, #tpu.memory_space<vmem>>, vector<2000x128xf32>
    %add3A = arith.addf %get3A_4, %get3A_7 : vector<2000x128xf32>
    %get3A_8 = arith.constant 0 : index
    %get3A_9 = arith.constant 0 : index
    %get3A_10 = arith.constant 0 : index
    %get3A_11 = vector.load %arg4[%get3A_8, %get3A_9, %get3A_10] : memref<1x1x2000xi32, #tpu.memory_space<vmem>>, vector<1x1x2000xi32>
    %get3A_12 = vector.shape_cast %get3A_11 : vector<1x1x2000xi32> to vector<2000xi32>
    %broadcast_in_dim3A = vector.shape_cast %get3A_12 : vector<2000xi32> to vector<2000x1xi32>
    %iota3A = tpu.iota {dimensions = array<i32: 1>} : vector<1x8xi32>
    %eq3A = vector.broadcast %broadcast_in_dim3A : vector<2000x1xi32> to vector<2000x8xi32>
    %eq3A_13 = vector.broadcast %iota3A : vector<1x8xi32> to vector<2000x8xi32>
    %eq3A_14 = arith.cmpi eq, %eq3A, %eq3A_13 : vector<2000x8xi32>
    %convert_element_type3A = arith.extui %eq3A_14 : vector<2000x8xi1> to vector<2000x8xi32>
    %convert_element_type3A_15 = arith.sitofp %convert_element_type3A : vector<2000x8xi32> to vector<2000x8xf32>
    %get3A_16 = arith.constant 0 : index
    %get3A_17 = arith.constant 0 : index
    %get3A_18 = vector.load %arg5[%get3A_16, %get3A_17] : memref<8x128xf32, #tpu.memory_space<vmem>>, vector<8x128xf32>
    %get3A_19 = arith.constant 0 : index
    %get3A_20 = arith.constant 0 : index
    %get3A_21 = vector.load %arg9[%get3A_19, %get3A_20] : memref<128x128xf32, #tpu.memory_space<vmem>>, vector<128x128xf32>
    %dot_general3A = arith.constant dense<0.000000e+00> : vector<8x128xf32>
    %dot_general3A_22 = tpu.matmul %get3A_18, %get3A_21, %dot_general3A {dimension_numbers = #tpu.dot_dimension_numbers<[1], [0], [0], [1], [0, 0, 1, 1], [], []>, transpose_lhs_hint = false} : vector<8x128xf32>, vector<128x128xf32>, vector<8x128xf32> -> vector<8x128xf32>
    %get3A_23 = arith.constant 0 : index
    %get3A_24 = arith.constant 0 : index
    %get3A_25 = vector.load %arg7[%get3A_23, %get3A_24] : memref<128x128xf32, #tpu.memory_space<vmem>>, vector<128x128xf32>
    %dot_general3A_26 = arith.constant dense<0.000000e+00> : vector<2000x128xf32>
    %dot_general3A_27 = tpu.matmul %get3A_1, %get3A_25, %dot_general3A_26 {dimension_numbers = #tpu.dot_dimension_numbers<[1], [0], [0], [1], [0, 0, 1, 1], [], []>, transpose_lhs_hint = false} : vector<2000x128xf32>, vector<128x128xf32>, vector<2000x128xf32> -> vector<2000x128xf32>
    %get3A_28 = arith.constant 0 : index
    %get3A_29 = arith.constant 0 : index
    %get3A_30 = vector.load %arg8[%get3A_28, %get3A_29] : memref<128x128xf32, #tpu.memory_space<vmem>>, vector<128x128xf32>
    %dot_general3A_31 = arith.constant dense<0.000000e+00> : vector<2000x128xf32>
    %dot_general3A_32 = tpu.matmul %add3A, %get3A_30, %dot_general3A_31 {dimension_numbers = #tpu.dot_dimension_numbers<[1], [0], [0], [1], [0, 0, 1, 1], [], []>, transpose_lhs_hint = false} : vector<2000x128xf32>, vector<128x128xf32>, vector<2000x128xf32> -> vector<2000x128xf32>
    %add3A_33 = arith.addf %dot_general3A_27, %dot_general3A_32 : vector<2000x128xf32>
    %dot_general3A_34 = arith.constant dense<0.000000e+00> : vector<2000x128xf32>
    %dot_general3A_35 = tpu.matmul %convert_element_type3A_15, %dot_general3A_22, %dot_general3A_34 {dimension_numbers = #tpu.dot_dimension_numbers<[1], [0], [0], [1], [0, 0, 1, 1], [], []>, transpose_lhs_hint = false} : vector<2000x8xf32>, vector<8x128xf32>, vector<2000x128xf32> -> vector<2000x128xf32>
    %add3A_36 = arith.addf %add3A_33, %dot_general3A_35 : vector<2000x128xf32>
    %get3A_37 = arith.constant 0 : index
    %get3A_38 = vector.load %arg10[%get3A_37] : memref<128xf32, #tpu.memory_space<vmem>>, vector<128xf32>
    %broadcast_in_dim3A_39 = vector.shape_cast %get3A_38 : vector<128xf32> to vector<1x128xf32>
    %add3A_40 = vector.broadcast %broadcast_in_dim3A_39 : vector<1x128xf32> to vector<2000x128xf32>
    %add3A_41 = arith.addf %add3A_36, %add3A_40 : vector<2000x128xf32>
    %max3A = arith.constant 0.000000e+00 : f32
    %max3A_42 = vector.broadcast %max3A : f32 to vector<2000x128xf32>
    %max3A_43 = arith.maximumf %add3A_41, %max3A_42 : vector<2000x128xf32>
    %get3A_44 = arith.constant 0 : index
    %get3A_45 = arith.constant 0 : index
    %get3A_46 = vector.load %arg11[%get3A_44, %get3A_45] : memref<128x128xf32, #tpu.memory_space<vmem>>, vector<128x128xf32>
    %dot_general3A_47 = arith.constant dense<0.000000e+00> : vector<2000x128xf32>
    %dot_general3A_48 = tpu.matmul %max3A_43, %get3A_46, %dot_general3A_47 {dimension_numbers = #tpu.dot_dimension_numbers<[1], [0], [0], [1], [0, 0, 1, 1], [], []>, transpose_lhs_hint = false} : vector<2000x128xf32>, vector<128x128xf32>, vector<2000x128xf32> -> vector<2000x128xf32>
    %add3A_49 = arith.addf %get3A_1, %dot_general3A_48 : vector<2000x128xf32>
    %get3A_50 = arith.constant 0 : index
    %get3A_51 = vector.load %arg12[%get3A_50] : memref<128xf32, #tpu.memory_space<vmem>>, vector<128xf32>
    %broadcast_in_dim3A_52 = vector.shape_cast %get3A_51 : vector<128xf32> to vector<1x128xf32>
    %add3A_53 = vector.broadcast %broadcast_in_dim3A_52 : vector<1x128xf32> to vector<2000x128xf32>
    %add3A_54 = arith.addf %add3A_49, %add3A_53 : vector<2000x128xf32>
    %swap3A = arith.constant 0 : index
    %swap3A_55 = arith.constant 0 : index
    %swap3A_56 = vector.load %arg19[%swap3A, %swap3A_55] : memref<2000x128xf32, #tpu.memory_space<vmem>>, vector<2000x128xf32>
    tpu.vector_store %arg19[%swap3A, %swap3A_55], %add3A_54 {strides = array<i32>} : memref<2000x128xf32, #tpu.memory_space<vmem>>, vector<2000x128xf32>,
    %eq3A_57 = arith.constant 0 : i32
    %eq3A_58 = arith.cmpi eq, %arg0, %eq3A_57 : i32
    %convert_element_type3A_59 = arith.extui %eq3A_58 : i1 to i32
    %cond3A = arith.constant 0 : i32
    %cond3A_60 = arith.cmpi ne, %convert_element_type3A_59, %cond3A : i32
    scf.if %cond3A_60 {
      %broadcast_in_dim3A_75 = arith.constant 0.000000e+00 : f32
      %broadcast_in_dim3A_76 = vector.broadcast %broadcast_in_dim3A_75 : f32 to vector<8x128xf32>
      %swap3A_77 = arith.constant 0 : index
      %swap3A_78 = arith.constant 0 : index
      %swap3A_79 = vector.load %arg21[%swap3A_77, %swap3A_78] : memref<8x128xf32, #tpu.memory_space<vmem>>, vector<8x128xf32>
      tpu.vector_store %arg21[%swap3A_77, %swap3A_78], %broadcast_in_dim3A_76 {strides = array<i32>} : memref<8x128xf32, #tpu.memory_space<vmem>>, vector<8x128xf32>,
    } else {
    }
    %get3A_61 = arith.constant 0 : index
    %get3A_62 = arith.constant 0 : index
    %get3A_63 = vector.load %arg21[%get3A_61, %get3A_62] : memref<8x128xf32, #tpu.memory_space<vmem>>, vector<8x128xf32>
    %dot_general3A_64 = arith.constant dense<0.000000e+00> : vector<8x128xf32>
    %dot_general3A_65 = tpu.matmul %convert_element_type3A_15, %add3A_54, %dot_general3A_64 {dimension_numbers = #tpu.dot_dimension_numbers<[0], [0], [1], [1], [0, 1, 1, 1], [], []>, transpose_lhs_hint = false} : vector<2000x8xf32>, vector<2000x128xf32>, vector<8x128xf32> -> vector<8x128xf32>
    %add3A_66 = arith.addf %get3A_63, %dot_general3A_65 : vector<8x128xf32>
    %swap3A_67 = arith.constant 0 : index
    %swap3A_68 = arith.constant 0 : index
    %swap3A_69 = vector.load %arg21[%swap3A_67, %swap3A_68] : memref<8x128xf32, #tpu.memory_space<vmem>>, vector<8x128xf32>
    tpu.vector_store %arg21[%swap3A_67, %swap3A_68], %add3A_66 {strides = array<i32>} : memref<8x128xf32, #tpu.memory_space<vmem>>, vector<8x128xf32>,
    %eq3A_70 = arith.constant 4 : i32
    %eq3A_71 = arith.cmpi eq, %arg0, %eq3A_70 : i32
    %convert_element_type3A_72 = arith.extui %eq3A_71 : i1 to i32
    %cond3A_73 = arith.constant 0 : i32
    %cond3A_74 = arith.cmpi ne, %convert_element_type3A_72, %cond3A_73 : i32
    scf.if %cond3A_74 {
      %get3A_75 = arith.constant 0 : index
      %get3A_76 = arith.constant 0 : index
      %get3A_77 = vector.load %arg21[%get3A_75, %get3A_76] : memref<8x128xf32, #tpu.memory_space<vmem>>, vector<8x128xf32>
      %get3A_78 = arith.constant 0 : index
      %get3A_79 = arith.constant 0 : index
      %get3A_80 = vector.load %arg6[%get3A_78, %get3A_79] : memref<8x128xf32, #tpu.memory_space<vmem>>, vector<8x128xf32>
      %get3A_81 = arith.constant 0 : index
      %get3A_82 = arith.constant 0 : index
      %get3A_83 = vector.load %arg13[%get3A_81, %get3A_82] : memref<128x128xf32, #tpu.memory_space<vmem>>, vector<128x128xf32>
      %dot_general3A_84 = arith.constant dense<0.000000e+00> : vector<8x128xf32>
      %dot_general3A_85 = tpu.matmul %get3A_77, %get3A_83, %dot_general3A_84 {dimension_numbers = #tpu.dot_dimension_numbers<[1], [0], [0], [1], [0, 0, 1, 1], [], []>, transpose_lhs_hint = false} : vector<8x128xf32>, vector<128x128xf32>, vector<8x128xf32> -> vector<8x128xf32>
      %get3A_86 = arith.constant 0 : index
      %get3A_87 = arith.constant 0 : index
      %get3A_88 = vector.load %arg14[%get3A_86, %get3A_87] : memref<128x128xf32, #tpu.memory_space<vmem>>, vector<128x128xf32>
      %dot_general3A_89 = arith.constant dense<0.000000e+00> : vector<8x128xf32>
      %dot_general3A_90 = tpu.matmul %get3A_80, %get3A_88, %dot_general3A_89 {dimension_numbers = #tpu.dot_dimension_numbers<[1], [0], [0], [1], [0, 0, 1, 1], [], []>, transpose_lhs_hint = false} : vector<8x128xf32>, vector<128x128xf32>, vector<8x128xf32> -> vector<8x128xf32>
      %add3A_91 = arith.addf %dot_general3A_85, %dot_general3A_90 : vector<8x128xf32>
      %get3A_92 = arith.constant 0 : index
      %get3A_93 = arith.constant 0 : index
      %get3A_94 = vector.load %arg15[%get3A_92, %get3A_93] : memref<128x128xf32, #tpu.memory_space<vmem>>, vector<128x128xf32>
      %dot_general3A_95 = arith.constant dense<0.000000e+00> : vector<8x128xf32>
      %dot_general3A_96 = tpu.matmul %get3A_18, %get3A_94, %dot_general3A_95 {dimension_numbers = #tpu.dot_dimension_numbers<[1], [0], [0], [1], [0, 0, 1, 1], [], []>, transpose_lhs_hint = false} : vector<8x128xf32>, vector<128x128xf32>, vector<8x128xf32> -> vector<8x128xf32>
      %add3A_97 = arith.addf %add3A_91, %dot_general3A_96 : vector<8x128xf32>
      %get3A_98 = arith.constant 0 : index
      %get3A_99 = vector.load %arg16[%get3A_98] : memref<128xf32, #tpu.memory_space<vmem>>, vector<128xf32>
      %broadcast_in_dim3A_100 = vector.shape_cast %get3A_99 : vector<128xf32> to vector<1x128xf32>
      %add3A_101 = vector.broadcast %broadcast_in_dim3A_100 : vector<1x128xf32> to vector<8x128xf32>
      %add3A_102 = arith.addf %add3A_97, %add3A_101 : vector<8x128xf32>
      %max3A_103 = arith.constant 0.000000e+00 : f32
      %max3A_104 = vector.broadcast %max3A_103 : f32 to vector<8x128xf32>
      %max3A_105 = arith.maximumf %add3A_102, %max3A_104 : vector<8x128xf32>
      %get3A_106 = arith.constant 0 : index
      %get3A_107 = arith.constant 0 : index
      %get3A_108 = vector.load %arg17[%get3A_106, %get3A_107] : memref<128x128xf32, #tpu.memory_space<vmem>>, vector<128x128xf32>
      %dot_general3A_109 = arith.constant dense<0.000000e+00> : vector<8x128xf32>
      %dot_general3A_110 = tpu.matmul %max3A_105, %get3A_108, %dot_general3A_109 {dimension_numbers = #tpu.dot_dimension_numbers<[1], [0], [0], [1], [0, 0, 1, 1], [], []>, transpose_lhs_hint = false} : vector<8x128xf32>, vector<128x128xf32>, vector<8x128xf32> -> vector<8x128xf32>
      %add3A_111 = arith.addf %get3A_18, %dot_general3A_110 : vector<8x128xf32>
      %get3A_112 = arith.constant 0 : index
      %get3A_113 = vector.load %arg18[%get3A_112] : memref<128xf32, #tpu.memory_space<vmem>>, vector<128xf32>
      %broadcast_in_dim3A_114 = vector.shape_cast %get3A_113 : vector<128xf32> to vector<1x128xf32>
      %add3A_115 = vector.broadcast %broadcast_in_dim3A_114 : vector<1x128xf32> to vector<8x128xf32>
      %add3A_116 = arith.addf %add3A_111, %add3A_115 : vector<8x128xf32>
      %swap3A_117 = arith.constant 0 : index
      %swap3A_118 = arith.constant 0 : index
      %swap3A_119 = vector.load %arg20[%swap3A_117, %swap3A_118] : memref<8x128xf32, #tpu.memory_space<vmem>>, vector<8x128xf32>
      tpu.vector_store %arg20[%swap3A_117, %swap3A_118], %add3A_116 {strides = array<i32>} : memref<8x128xf32, #tpu.memory_space<vmem>>, vector<8x128xf32>,
    } else {
    }
    return
  }
  func.func @transform_0(%arg0: i32) -> (i32, i32) {
    %c0_i32 = arith.constant 0 : i32
    %c0_i32_0 = arith.constant 0 : i32
    return %arg0, %c0_i32 : i32, i32
  }
  func.func @transform_1(%arg0: i32) -> (i32, i32) {
    %c0_i32 = arith.constant 0 : i32
    %c0_i32_0 = arith.constant 0 : i32
    return %arg0, %c0_i32 : i32, i32
  }
  func.func @transform_2(%arg0: i32) -> (i32, i32) {
    %add3A = arith.constant 5 : i32
    %add3A_0 = arith.addi %arg0, %add3A : i32
    %c0_i32 = arith.constant 0 : i32
    %c0_i32_1 = arith.constant 0 : i32
    return %add3A_0, %c0_i32 : i32, i32
  }
  func.func @transform_3(%arg0: i32) -> (i32, i32, i32) {
    %c0_i32 = arith.constant 0 : i32
    %c0_i32_0 = arith.constant 0 : i32
    %c0_i32_1 = arith.constant 0 : i32
    return %arg0, %c0_i32, %c0_i32_0 : i32, i32, i32
  }
  func.func @transform_4(%arg0: i32) -> (i32, i32) {
    %c0_i32 = arith.constant 0 : i32
    %c0_i32_0 = arith.constant 0 : i32
    %c0_i32_1 = arith.constant 0 : i32
    return %c0_i32, %c0_i32_0 : i32, i32
  }
  func.func @transform_5(%arg0: i32) -> (i32, i32) {
    %c0_i32 = arith.constant 0 : i32
    %c0_i32_0 = arith.constant 0 : i32
    %c0_i32_1 = arith.constant 0 : i32
    return %c0_i32, %c0_i32_0 : i32, i32
  }
  func.func @transform_6(%arg0: i32) -> (i32, i32) {
    %c0_i32 = arith.constant 0 : i32
    %c0_i32_0 = arith.constant 0 : i32
    %c0_i32_1 = arith.constant 0 : i32
    return %c0_i32, %c0_i32_0 : i32, i32
  }
  func.func @transform_7(%arg0: i32) -> (i32, i32) {
    %c0_i32 = arith.constant 0 : i32
    %c0_i32_0 = arith.constant 0 : i32
    %c0_i32_1 = arith.constant 0 : i32
    return %c0_i32, %c0_i32_0 : i32, i32
  }
  func.func @transform_8(%arg0: i32) -> (i32, i32) {
    %c0_i32 = arith.constant 0 : i32
    %c0_i32_0 = arith.constant 0 : i32
    %c0_i32_1 = arith.constant 0 : i32
    return %c0_i32, %c0_i32_0 : i32, i32
  }
  func.func @transform_9(%arg0: i32) -> i32 {
    %c0_i32 = arith.constant 0 : i32
    %c0_i32_0 = arith.constant 0 : i32
    return %c0_i32 : i32
  }
  func.func @transform_10(%arg0: i32) -> (i32, i32) {
    %c0_i32 = arith.constant 0 : i32
    %c0_i32_0 = arith.constant 0 : i32
    %c0_i32_1 = arith.constant 0 : i32
    return %c0_i32, %c0_i32_0 : i32, i32
  }
  func.func @transform_11(%arg0: i32) -> i32 {
    %c0_i32 = arith.constant 0 : i32
    %c0_i32_0 = arith.constant 0 : i32
    return %c0_i32 : i32
  }
  func.func @transform_12(%arg0: i32) -> (i32, i32) {
    %c0_i32 = arith.constant 0 : i32
    %c0_i32_0 = arith.constant 0 : i32
    %c0_i32_1 = arith.constant 0 : i32
    return %c0_i32, %c0_i32_0 : i32, i32
  }
  func.func @transform_13(%arg0: i32) -> (i32, i32) {
    %c0_i32 = arith.constant 0 : i32
    %c0_i32_0 = arith.constant 0 : i32
    %c0_i32_1 = arith.constant 0 : i32
    return %c0_i32, %c0_i32_0 : i32, i32
  }
  func.func @transform_14(%arg0: i32) -> (i32, i32) {
    %c0_i32 = arith.constant 0 : i32
    %c0_i32_0 = arith.constant 0 : i32
    %c0_i32_1 = arith.constant 0 : i32
    return %c0_i32, %c0_i32_0 : i32, i32
  }
  func.func @transform_15(%arg0: i32) -> i32 {
    %c0_i32 = arith.constant 0 : i32
    %c0_i32_0 = arith.constant 0 : i32
    return %c0_i32 : i32
  }
  func.func @transform_16(%arg0: i32) -> (i32, i32) {
    %c0_i32 = arith.constant 0 : i32
    %c0_i32_0 = arith.constant 0 : i32
    %c0_i32_1 = arith.constant 0 : i32
    return %c0_i32, %c0_i32_0 : i32, i32
  }
  func.func @transform_17(%arg0: i32) -> i32 {
    %c0_i32 = arith.constant 0 : i32
    %c0_i32_0 = arith.constant 0 : i32
    return %c0_i32 : i32
  }
  func.func @transform_18(%arg0: i32) -> (i32, i32) {
    %c0_i32 = arith.constant 0 : i32
    %c0_i32_0 = arith.constant 0 : i32
    return %arg0, %c0_i32 : i32, i32
  }
  func.func @transform_19(%arg0: i32) -> (i32, i32) {
    %c0_i32 = arith.constant 0 : i32
    %c0_i32_0 = arith.constant 0 : i32
    %c0_i32_1 = arith.constant 0 : i32
    return %c0_i32, %c0_i32_0 : i32, i32
  }
}

</mosaic_0001>

<sc_bundles>
// kernel: kernel.10.cloned.1.call-start
scs
__scs_entry_jumppad:
0x0: {  	(pc) =	sbr.rel $0x88, $3  }
0x1: {  	(tag) =	ssettag $0x0;
	lr =	simm.s32 $0x1  }
0x2: {  	[smem:$0x3F90] =	sst lr;
	_ =	strace $0xD0000000  }
0x3: {  	_ = 	snop  }
0x4: {  	_ = 	snop  }
0x5: {  	_ = 	snop  }
0x6: {  	_ = 	snop  }
0x7: {  	_ = 	snop  }
__scs_overlays_trampoline_lowered:
0x8: {  	[smem:$0x3F9F] =	sst s0  }
0x9: {  	[smem:$0x3FA0] =	sst s1  }
0xa: {  	[smem:$0x3FA1] =	sst s2  }
0xb: {  	[smem:$0x3FA2] =	sst s3  }
0xc: {  	[smem:$0x3FA3] =	sst s4  }
0xd: {  	[smem:$0x3FA4] =	sst s5  }
0xe: {  	[smem:$0x3FA5] =	sst s6  }
0xf: {  	[smem:$0x3FA6] =	sst s7  }
0x10: {  	[smem:$0x3FA7] =	sst s8  }
0x11: {  	[smem:$0x3FA8] =	sst s9;
	s0 =	simm.s32 @!p0 $0x0  }
0x12: {  	s1 =	sld [smem:$0x3F8E];
	s0 =	simm.s32 @p0 $0x1  }
0x13: {  	[smem:$0x3FA9] =	sst s0;
	s0 =	simm.s32 @!p1 $0x0  }
0x14: {  	s2 =	sld [smem:$0x3F8D];
	s0 =	simm.s32 @p1 $0x1  }
0x15: {  	[smem:$0x3FAA] =	sst s0;
	s0 =	simm.s32 @!p2 $0x0  }
0x16: {  	s3 =	sld [smem:$0x3FDB];
	s0 =	simm.s32 @p2 $0x1  }
0x17: {  	s4 =	simm.s32 $0x1BF5;
	[smem:$0x3FAC] =	sst s0  }
0x18: {  	s0 =	sld [smem:$0x3F8F];
	_ =	swait.ge [sflag:s4], $0x0  }
0x19: {  	s7 =	sld [smem:$0x3F90]  }
0x1a: {  	s8 =	sadd.s32 $0xFFFFE003, lr  }
0x1b: {  	s9 =	sadd.s32 $0xFFFFFEF7, lr;
	s5 =	simm.s32 $0xFFFFFFFF;
	p2 =	slt.u32 s8, $0xFFFFF086  }
0x1c: {  	p1 =	slt.u32 s9, $0xF7A;
	s5 =	simm.s32 @!p2 $0x0  }
0x1d: {  	s5 =	simm.s32 @p1 $0x1;
	p0 =	seq.s32 s7, s2  }
0x1e: {  	s7 =	smul.u32 @!p0 $0xF7A, s2;
	p2 =	seq.s32 @!p0 s5, $0x0  }
0x1f: {  	s9 =	smul.u32 $0xF7A, s1;
	s8 =	simm.s32 @!p0 $0x1BF5;
	p2 =	por !p2, p0  }
0x20: {  	[sflag:s8] =	ssyncset.s32 @!p0 $0xFFFFF086;
	s6 =	sadd.s32 @!p0 s3, s7;
	s7 =	simm.s32 @!p0 $0x108  }
0x21: {  	s3 =	sadd.s32 s3, s9;
	s6 =	sadd.s32 @!p0 $0x88, s6;
	s7 =	simm.s32 @p2 $0x1082  }
0x22: {  	[simem:s7], [sflag:s8] =	dma.local @!p0 [hbm:s6], $0xF7A  }
0x23: {  	s9 =	sor.u32 $0xD0000000, s2;
	s6 =	simm.s32 $0x108;
	_ =	swait.ge @!p0 [sflag:s8], $0x0  }
0x24: {  	s3 =	sadd.s32 $0x88, s3;
	s6 =	simm.s32 @!p1 $0x1082;
	[sflag:s4] =	ssyncset.s32 $0xFFFFF086  }
0x25: {  	[simem:s6], [sflag:s4] =	dma.local [hbm:s3], $0xF7A  }
0x26: {  	[smem:$0x3F90] =	sst s1;
	(tag) =	ssettag s2;
	_ =	strace s9  }
0x27: {  	s1 =	sld [smem:$0x3FA0]  }
0x28: {  	s2 =	sld [smem:$0x3FA1]  }
0x29: {  	s4 =	sld [smem:$0x3FA3]  }
0x2a: {  	p0 =	seq.s32 s5, $0x0;
	s5 =	sld [smem:$0x3FA4]  }
0x2b: {  	s6 =	sld [smem:$0x3FA5]  }
0x2c: {  	s7 =	sld [smem:$0x3FA6]  }
0x2d: {  	s3 =	simm.s32 $0x108;
	s8 =	sld [smem:$0x3FA7]  }
0x2e: {  	s3 =	simm.s32 @!p0 $0x1082;
	s9 =	sld [smem:$0x3FA8]  }
0x2f: {  	lr =	sadd.s32 s0, s3;
	s0 =	sld [smem:$0x3F9F]  }
0x30: {  	s3 =	sld [smem:$0x3FA2]  }
0x31: {  	[smem:$0x3FAB] =	sst s10  }
0x32: {  	s10 =	sld [smem:$0x3FA9];
	_ =	sdelay $0x3  }
0x33: {  	p0 =	seq.s32 s10, $0x1;
	s10 =	sld [smem:$0x3FAB];
	_ =	sdelay $0x3  }
0x34: {  	[smem:$0x3FAB] =	sst s10  }
0x35: {  	s10 =	sld [smem:$0x3FAA];
	_ =	sdelay $0x3  }
0x36: {  	p1 =	seq.s32 s10, $0x1;
	s10 =	sld [smem:$0x3FAB];
	_ =	sdelay $0x3  }
0x37: {  	[smem:$0x3FAB] =	sst s10  }
0x38: {  	s10 =	sld [smem:$0x3FAC]  }
0x39: {  	_ = 	snop;
	(pc) =	sbr.ind lr, $3  }
0x3a: {  	_ = 	snop  }
0x3b: {  	_ = 	snop  }
0x3c: {  	p2 =	seq.s32 s10, $0x1;
	s10 =	sld [smem:$0x3FAB]  }
0x3d: {  	_ =	shalt  }
0x3e: {  	_ =	shalt  }
0x3f: {  	_ =	shalt  }
0x40: {  	_ =	shalt  }
0x41: {  	_ =	shalt  }
0x42: {  	_ =	shalt  }
0x43: {  	_ =	shalt  }
0x44: {  	_ =	shalt  }
0x45: {  	_ =	shalt  }
0x46: {  	_ =	shalt  }
0x47: {  	_ =	shalt  }
0x48: {  	_ =	shalt  }
0x49: {  	_ =	shalt  }
0x4a: {  	_ =	shalt  }
0x4b: {  	_ =	shalt  }
0x4c: {  	_ =	shalt  }
0x4d: {  	_ =	shalt  }
0x4e: {  	_ =	shalt  }
0x4f: {  	_ =	shalt  }
0x50: {  	_ =	shalt  }
0x51: {  	_ =	shalt  }
0x52: {  	_ =	shalt  }
0x53: {  	_ =	shalt  }
0x54: {  	_ =	shalt  }
0x55: {  	_ =	shalt  }
0x56: {  	_ =	shalt  }
0x57: {  	_ =	shalt  }
0x58: {  	_ =	shalt  }
0x59: {  	_ =	shalt  }
0x5a: {  	_ =	shalt  }
0x5b: {  	_ =	shalt  }
0x5c: {  	_ =	shalt  }
0x5d: {  	_ =	shalt  }
0x5e: {  	_ =	shalt  }
0x5f: {  	_ =	shalt  }
0x60: {  	_ =	shalt  }
0x61: {  	_ =	shalt  }
0x62: {  	_ =	shalt  }
0x63: {  	_ =	shalt  }
0x64: {  	_ =	shalt  }
0x65: {  	_ =	shalt  }
0x66: {  	_ =	shalt  }
0x67: {  	_ =	shalt  }
0x68: {  	_ =	shalt  }
0x69: {  	_ =	shalt  }
0x6a: {  	_ =	shalt  }
0x6b: {  	_ =	shalt  }
0x6c: {  	_ =	shalt  }
0x6d: {  	_ =	shalt  }
0x6e: {  	_ =	shalt  }
0x6f: {  	_ =	shalt  }
0x70: {  	_ =	shalt  }
0x71: {  	_ =	shalt  }
0x72: {  	_ =	shalt  }
0x73: {  	_ =	shalt  }
0x74: {  	_ =	shalt  }
0x75: {  	_ =	shalt  }
0x76: {  	_ =	shalt  }
0x77: {  	_ =	shalt  }
0x78: {  	_ =	shalt  }
0x79: {  	_ =	shalt  }
0x7a: {  	_ =	shalt  }
0x7b: {  	_ =	shalt  }
0x7c: {  	_ =	shalt  }
0x7d: {  	_ =	shalt  }
0x7e: {  	_ =	shalt  }
0x7f: {  	_ =	shalt  }
0x80: {  	_ =	shalt  }
0x81: {  	_ =	shalt  }
0x82: {  	_ =	shalt  }
0x83: {  	_ =	shalt  }
0x84: {  	_ =	shalt  }
0x85: {  	_ =	shalt  }
0x86: {  	_ =	shalt  }
0x87: {  	_ =	shalt  }
.Lfunc_end0:
.L_simem_size_0:
called_computation.1_lowered:
.L_overlay_start_0:
0x88: {  	s2 =	sld [smem:$0x3FD9]  }
0x89: {  	s3 =	sld [smem:$0x3FFE];
	_ =	sdelay $0x1  }
0x8a: {  	s1 =	srdreg.scid  }
0x8b: {  	s0 =	sand.u32 $0x1, s1  }
0x8c: {  	s14 =	sshll.u32 s0, $0xA;
	s2 =	sadd.s32 s3, s2  }
0x8d: {  	s2 =	sadd.s32 s2, s14  }
0x8e: {  	[smem:$0x3FB7] =	sst s2  }
0x8f: {  	_ = 	snop  }
0x90: {  	s2 =	sld [smem:$0x3FD0];
	_ =	sdelay $0x2  }
0x91: {  	s15 =	simm.s32 $0xA;
	s4 =	simm.s32 $0x10  }
0x92: {  	[smem:s4], [sflag:s15] =	dma.local [hbm:s2], $0x1  }
0x93: {  	_ =	swait.eq [sflag:s15], $0x1  }
0x94: {  	[sflag:s15] =	ssyncset.done $0x0  }
0x95: {  	[sflag:s15] =	ssyncadd.s32 $0xFFFFFFFF  }
0x96: {  	s16 =	sld [smem:$0x11];
	(tm) =	ssettm $0x1  }
0x97: {  	s17 =	sld [smem:$0x3FFB];
	_ =	sdelay $0x3  }
0x98: {  	_ =	strace s17  }
0x99: {  	s3 =	sld [smem:$0x3FFC];
	_ =	sdelay $0x3  }
0x9a: {  	_ =	strace s3  }
0x9b: {  	s3 =	sld [smem:$0x3FFD];
	_ =	sdelay $0x3  }
0x9c: {  	_ =	strace s3  }
0x9d: {  	_ =	strace $0x8FFFFFFF  }
0x9e: {  	s18 =	sld [smem:$0x3FDB];
	_ =	sdelay $0x1  }
0x9f: {  	s19 =	simm.s32 $_scs_section_size  }
0xa0: {  	s5 =	simm.s32 $_size__tile_overlayer_lowered;
	s6 =	simm.s32 $_tile_overlayer_lowered  }
0xa1: {  	s22 =	simm.s32 $0x1BFF;
	s21 =	sshll.u32 s6, $0x1;
	s3 =	sadd.s32 s19, s18  }
0xa2: {  	s7 =	simm.s32 $0x0;
	s20 =	sshll.u32 s5, $0x1;
	s5 =	sadd.s32 s21, s3  }
0xa3: {  	[timem:s7], [sflag:s22] =	dma.local [hbm:s5], s20  }
0xa4: {  	_ =	swait.ge [sflag:s22], s20  }
0xa5: {  	s4 =	ssub.s32 $0x0, s20;
	[sflag:s22] =	ssyncset.done $0x0  }
0xa6: {  	[sflag:s22] =	ssyncadd.s32 s4;
	_ =	sdelay $0x1  }
0xa7: {  	s23 =	simm.s32 $0x1B8B  }
0xa8: {  	_ =	swait.ge [sflag:s23], $0x1  }
0xa9: {  	[sflag:s23] =	ssyncset.done $0x0  }
0xaa: {  	s25 =	simm.s32 $0x1B8E;
	s24 =	sld [smem:$0x3FFE];
	[sflag:s23] =	ssyncadd.s32 $0xFFFFFFFF  }
0xab: {  	s26 =	simm.s32 $execute0_lowered;
	[smem:$0x3FD2] =	sst s25  }
0xac: {  	s5 =	sshll.u32 s26, $0x1;
	_ =	strace $0x80000049;
	[dreg:$0x1] =	wrdreg $0xFFFFFFFF  }
0xad: {  	s28 =	simm.s32 $_size_execute0_lowered;
	s3 =	sadd.s32 s3, s5;
	[dreg:$0x0] =	wrdreg $0x0  }
0xae: {  	s5 =	sshll.u32 s28, $0x1;
	[dreg:$0x2] =	wrdreg s3  }
0xaf: {  	[dreg:$0x3] =	wrdreg s5  }
0xb0: {  	[dreg:$0x4] =	wrdreg $0xC0  }
0xb1: {  	_ =	task [dreg:s7], $0x5FFFF  }
0xb2: {  	[dreg:$0x1] =	wrdreg $0xFFFFFFFF  }
0xb3: {  	[dreg:$0x0] =	wrdreg $0x60  }
0xb4: {  	[dreg:$0x2] =	wrdreg s16  }
0xb5: {  	[dreg:$0x3] =	wrdreg s24  }
0xb6: {  	[dreg:$0x4] =	wrdreg $0x0  }
0xb7: {  	[dreg:$0x5] =	wrdreg $0x9  }
0xb8: {  	_ =	task.clear_ibuf [dreg:s7], $0x6FFFF;
	_ =	strace $0x90000049  }
0xb9: {  	s29 =	simm.s32 $0x9;
	_ =	strace $0x8000004B  }
0xba: {  	_ =	swait.ge [sflag:s29], $0x1  }
0xbb: {  	[sflag:s29] =	ssyncadd.s32 $0xFFFFFFFF  }
0xbc: {  	_ =	strace $0x9000004B  }
0xbd: {  	_ =	sfence  }
0xbe: {  	s30 =	sld [smem:$0x0];
	_ =	sdelay $0x2  }
0xbf: {  	s31 =	sshll.u32 s1, $0xD;
	s1 =	sshrl.u32 s1, $0x2  }
0xc0: {  	s3 =	sand.u32 $0x4000, s31;
	s1 =	sadd.s32 s1, s30  }
0xc1: {  	s0 =	sor.u32 s3, s0;
	s1 =	sshll.u32 s1, $0x11  }
0xc2: {  	s0 =	sor.u32 s1, s0  }
0xc3: {  	s0 =	sadd.s32 $0x8F2B, s0  }
0xc4: {  	[sflag:s0] =	ssyncadd.remote.s32 $0x1  }
0xc5: {  	_ =	sfence.sel $0xFFFF  }
0xc6: {  	[dreg:$0x0] =	wrdreg $0xFFFFFFFF;
	(pc) =	sbr.abs _section_cstart, $3  }
0xc7: {  	[dreg:$0x1] =	wrdreg $0xFFFFFFFF  }
0xc8: {  	_ =	task.clear_ibuf [dreg:s7], $0x2FFFF;
	_ =	strace $0x9FFFFFFF  }
0xc9: {  	(tm) =	ssettm $0x7FFFFFFF  }
tec
execute0_lowered:
.L_overlay_start_1:
0x0: {  	(tag) =	ssettag $0x1  }
0x1: {  	s0 =	rddreg [dreg:$0x0]  }
0x2: {  	s3 =	rddreg [dreg:$0x1]  }
0x3: {  	s1 =	rddreg [dreg:$0x2];
	s2 =	simm.s32 $0x0;
	s4 =	srdreg.scid  }
0x4: {  	s9 =	stileid.u32;
	s28 =	simm.s32 $0x80;
	s31 =	simm.s32 $0x1B980  }
0x5: {  	[smem:$0x7FF] =	sst s2;
	s16 =	sand.u32 $0x1, s4;
	s6 =	smul.u32 $0x4E000, s9  }
0x6: {  	s4 =	sadd.s32 $0xDE00, s3;
	s3 =	sadd.s32 $0x17C00, s3;
	s17 =	smul.u32 $0x2700, s9  }
0x7: {  	s8 =	sshll.u32 s9, $0x1;
	s11 =	sadd.s32 $0x138000, s1;
	s24 =	smul.u32 $0x4E200, s9  }
0x8: {  	p0 =	sne.s32 s9, $0x0;
	_ =	strace $0x8000004A;
	s19 =	smul.u32 $0x27100, s16  }
0x9: {  	s5 =	ssub.s32 $0x2, s16;
	s10 =	sor.u32 s16, s8;
	s25 =	smul.u32 $0x2710, s16  }
0xa: {  	s7 =	sshrl.u32 s5, $0x1;
	s6 =	sshrl.u32 s6, $0x2;
	s14 =	smul.u32 $0x2710, s10  }
0xb: {  	s13 =	smul.u32 $0x27100, s10;
	s18 =	ssub.s32 s5, s7;
	s5 =	sadd.s32 s6, s1  }
0xc: {  	s17 =	sadd.s32 s17, s19;
	s6 =	sadd.s32 $0x3400, s5;
	s21 =	sadd.s32 $0x6800, s5  }
0xd: {  	s22 =	sadd.s32 $0x9C00, s5;
	s23 =	sadd.s32 $0xD000, s5;
	[dreg:$0x4] =	wrdreg s6  }
0xe: {  	s12 =	sshrl.u32 s14, $0x3;
	s10 =	sadd.s32 $0x10400, s5;
	[dreg:$0x5] =	wrdreg s21  }
0xf: {  	s13 =	sadd.s32 s0, s13;
	s14 =	sadd.s32 $0x2700, s14;
	[dreg:$0x6] =	wrdreg s22  }
0x10: {  	s18 =	smax.u32 s18, $0x1;
	[dreg:$0x7] =	wrdreg s23;
	s12 =	sadd.s32 s4, s12  }
0x11: {  	s15 =	sshrl.u32 s14, $0x3;
	s20 =	sshll.u32 s14, $0x4;
	s21 =	smul.u32 $0x138800, s16  }
0x12: {  	s22 =	smul.u32 $0x4E20, s9;
	s16 =	sadd.s32 s3, s17;
	s23 =	simm.s32 $0x0  }
0x13: {  	s14 =	sadd.s32 s4, s15;
	s15 =	sadd.s32 s0, s20;
	s0 =	sadd.s32 s24, s0  }
0x14: {  	s21 =	sshrl.u32 s21, $0x3;
	s0 =	sadd.s32 s19, s0;
	s26 =	sadd.s32 s25, s22  }
0x15: {  	s22 =	simm.s32 $0x3;
	s25 =	simm.s32 $0x1;
	s21 =	sadd.s32 s3, s21  }
0x16: {  	s29 =	sadd.s32 $0x800, s0;
	s30 =	sadd.s32 $0x80, s26;
	s26 =	simm.s32 $0x2  }
0x17: {  	v0 =	vimm.f32 $0.0e+00;
	s0 =	simm.s32 $0x1BA00;
	s17 =	sadd.s32 $0x27000, s21;
	s21 =	simm.s32 $0x1C200  }
.LBB2_1:
0x18: {  	s19 =	simm.s32 $0x0;
	s20 =	simm.s32 $0x200  }
.LBB2_2:
0x19: {  	p1 =	sne.s32 s20, $0xCE00;
	[tilespmem:s19+$0x1C270] =	vst v0  }
0x1a: {  	[tilespmem:s19+$0x1C200] =	vst v0  }
0x1b: {  	[tilespmem:s19+$0x1C210] =	vst v0  }
.Ltmp0:
0x1c: {  	[tilespmem:s19+$0x1C220] =	vst v0;
	(pc) =	sbr.rel @p1 .LBB2_2-.Ltmp0, $4  }
0x1d: {  	[tilespmem:s19+$0x1C230] =	vst v0  }
0x1e: {  	[tilespmem:s19+$0x1C240] =	vst v0  }
0x1f: {  	[tilespmem:s19+$0x1C250] =	vst v0  }
0x20: {  	[tilespmem:s19+$0x1C260] =	vst v0;
	s19 =	sshra.s32 s20, $0x2;
	s20 =	sadd.s32 $0x200, s20  }
0x21: {  	[tilespmem:s19+$0x1C270] =	vst v0  }
0x22: {  	[tilespmem:s19+$0x1C200] =	vst v0  }
0x23: {  	[tilespmem:s19+$0x1C210] =	vst v0  }
0x24: {  	[tilespmem:s19+$0x1C220] =	vst v0  }
0x25: {  	[tilespmem:s19+$0x1C230] =	vst v0  }
0x26: {  	[tilespmem:s19+$0x1C240] =	vst v0  }
0x27: {  	[tilespmem:s19+$0x1C250] =	vst v0  }
0x28: {  	[tilespmem:s19+$0x1C260] =	vst v0  }
0x29: {  	[spmem:s5] =	stream.linear.scatter [tilespmem:s21], [sflag:$0x3], $0x3400, $0x38;
	[tilespmem:$0x1F600] =	vst v63  }
0x2a: {  	_ =	swait.ge [sflag:s22], $0x3400  }
0x2b: {  	[sflag:s22] =	ssyncset.done $0x0  }
0x2c: {  	s3 =	rddreg [dreg:$0x4];
	[sflag:s22] =	ssyncadd.s32 $0xFFFFCC00  }
0x2d: {  	[spmem:s3] =	stream.linear.scatter [tilespmem:s21], [sflag:$0x3], $0x3400, $0x38;
	[tilespmem:$0x1F600] =	vst v63  }
0x2e: {  	_ =	swait.ge [sflag:s22], $0x3400  }
0x2f: {  	[sflag:s22] =	ssyncset.done $0x0  }
0x30: {  	s8 =	rddreg [dreg:$0x5];
	[sflag:s22] =	ssyncadd.s32 $0xFFFFCC00  }
0x31: {  	[spmem:s8] =	stream.linear.scatter [tilespmem:s21], [sflag:$0x3], $0x3400, $0x38;
	[tilespmem:$0x1F600] =	vst v63  }
0x32: {  	_ =	swait.ge [sflag:s22], $0x3400  }
0x33: {  	[sflag:s22] =	ssyncset.done $0x0  }
0x34: {  	s9 =	rddreg [dreg:$0x6];
	[sflag:s22] =	ssyncadd.s32 $0xFFFFCC00  }
0x35: {  	[spmem:s9] =	stream.linear.scatter [tilespmem:s21], [sflag:$0x3], $0x3400, $0x38;
	[tilespmem:$0x1F600] =	vst v63  }
0x36: {  	_ =	swait.ge [sflag:s22], $0x3400  }
0x37: {  	[sflag:s22] =	ssyncset.done $0x0  }
0x38: {  	s19 =	rddreg [dreg:$0x7];
	[sflag:s22] =	ssyncadd.s32 $0xFFFFCC00  }
0x39: {  	[spmem:s19] =	stream.linear.scatter [tilespmem:s21], [sflag:$0x3], $0x3400, $0x38;
	[tilespmem:$0x1F600] =	vst v63  }
0x3a: {  	_ =	swait.ge [sflag:s22], $0x3400  }
0x3b: {  	[sflag:s22] =	ssyncset.done $0x0  }
0x3c: {  	[sflag:s22] =	ssyncadd.s32 $0xFFFFCC00  }
0x3d: {  	[spmem:s10] =	stream.linear.scatter [tilespmem:s21], [sflag:$0x3], $0x3400, $0x38;
	[tilespmem:$0x1F600] =	vst v63  }
0x3e: {  	_ =	swait.ge [sflag:s22], $0x3400  }
0x3f: {  	[sflag:s22] =	ssyncset.done $0x0  }
0x40: {  	s19 =	simm.s32 @!p0 $0x1C200;
	[sflag:s22] =	ssyncadd.s32 $0xFFFFCC00  }
0x41: {  	[spmem:s11] =	stream.linear.scatter @!p0 [tilespmem:s19], [sflag:$0x3], $0x800, $0x38;
	[tilespmem:$0x1F600] =	vst v63  }
0x42: {  	s19 =	simm.s32 @!p0 $0x3  }
0x43: {  	_ =	swait.ge @!p0 [sflag:s19], $0x800  }
0x44: {  	[sflag:s19] =	ssyncset.done @!p0 $0x0  }
0x45: {  	[sflag:s19] =	ssyncadd.s32 @!p0 $0xFFFFF800  }
0x46: {  	s20 =	simm.s32 $0x0;
	s24 =	simm.s32 $0x13880;
	[bflag:$0x0] =	sbarrier.arrive $0xFFFF  }
0x47: {  	[tilespmem:s24], [sflag:$0x1] =	stream.linear.gather [hbm4b:s12+s20], $0x80, $0x38;
	[tilespmem:$0x1F600] =	vst v63  }
0x48: {  	s6 =	simm.s32 $0x13980  }
0x49: {  	[tilespmem:s6], [sflag:$0x2] =	stream.linear.gather [hbm4b:s13+s20], $0x4000, $0x38;
	[tilespmem:$0x1F600] =	vst v63  }
0x4a: {  	_ =	swait.ge [sflag:s25], $0x80  }
0x4b: {  	[sflag:s25] =	ssyncset.done $0x0  }
0x4c: {  	s19 =	sand.u32 $0x1, s20;
	[sflag:s25] =	ssyncadd.s32 $0xFFFFFF80  }
0x4d: {  	s24 =	sshrl.u32 s30, $0x3;
	s20 =	sxor.u32 $0x1, s19;
	_ =	swait.ge [sflag:s26], $0x4000  }
0x4e: {  	s24 =	sadd.s32 s4, s24;
	s7 =	sshll.u32 s20, $0x7;
	[sflag:s26] =	ssyncset.done $0x0  }
0x4f: {  	s8 =	sshll.u32 s20, $0xE;
	s3 =	sadd.s32 $0x13880, s7;
	[sflag:s26] =	ssyncadd.s32 $0xFFFFC000  }
0x50: {  	[tilespmem:s3], [sflag:$0x1] =	stream.linear.gather [hbm4b:s24+s2], $0x80, $0x38;
	[tilespmem:$0x1F600] =	vst v63  }
0x51: {  	s9 =	sshll.u32 s19, $0x7;
	s19 =	sshll.u32 s19, $0xE;
	s3 =	sor.u32 $0x13980, s8  }
0x52: {  	[tilespmem:s3], [sflag:$0x2] =	stream.linear.gather [hbm4b:s29+s2], $0x4000, $0x38;
	[tilespmem:$0x1F600] =	vst v63  }
0x53: {  	s19 =	sor.u32 $0x13980, s19;
	s24 =	sadd.s32 $0x13880, s9  }
0x54: {  	[spmem:s1] =	stream.indirect.scatter.add.f32 [tilespmem:s19], [sflag:$0x3], $0x80, s24, s28, $0xb8;
	[tilespmem:$0x1F600] =	vst v63  }
0x55: {  	s20 =	smov.u32 s30;
	_ =	swait.ge [sflag:s22], $0x4000  }
0x56: {  	s24 =	simm.s32 $0x1;
	s19 =	smov.u32 s29;
	[sflag:s22] =	ssyncset.done $0x0  }
.LBB2_4:
0x57: {  	[sflag:s22] =	ssyncadd.s32 $0xFFFFC000;
	s19 =	sadd.s32 $0x800, s19;
	s20 =	sadd.s32 $0x80, s20  }
0x58: {  	p1 =	sne.s32 s24, $0x4C;
	s3 =	smov.u32 s24;
	s24 =	sadd.s32 $0x1, s24  }
0x59: {  	_ =	swait.ge [sflag:s25], $0x80  }
0x5a: {  	[sflag:s25] =	ssyncset.done $0x0  }
0x5b: {  	s3 =	sand.u32 $0x1, s3;
	s6 =	sshrl.u32 s20, $0x3;
	[sflag:s25] =	ssyncadd.s32 $0xFFFFFF80  }
0x5c: {  	s7 =	sshll.u32 s3, $0x7;
	s8 =	sxor.u32 $0x1, s3;
	_ =	swait.ge [sflag:s26], $0x4000  }
0x5d: {  	s9 =	sshll.u32 s8, $0x7;
	s8 =	sshll.u32 s8, $0xE;
	[sflag:s26] =	ssyncset.done $0x0  }
0x5e: {  	s6 =	sadd.s32 s4, s6;
	s9 =	sadd.s32 $0x13880, s9;
	[sflag:s26] =	ssyncadd.s32 $0xFFFFC000  }
0x5f: {  	[tilespmem:s9], [sflag:$0x1] =	stream.linear.gather [hbm4b:s6+s2], $0x80, $0x38;
	[tilespmem:$0x1F600] =	vst v63  }
0x60: {  	s3 =	sshll.u32 s3, $0xE;
	s6 =	sor.u32 $0x13980, s8  }
0x61: {  	[tilespmem:s6], [sflag:$0x2] =	stream.linear.gather [hbm4b:s19+s2], $0x4000, $0x38;
	[tilespmem:$0x1F600] =	vst v63  }
.Ltmp1:
0x62: {  	_ = 	snop;
	(pc) =	sbr.rel @p1 .LBB2_4-.Ltmp1, $4  }
0x63: {  	s3 =	sor.u32 $0x13980, s3;
	s6 =	sadd.s32 $0x13880, s7  }
0x64: {  	[spmem:s1] =	stream.indirect.scatter.add.f32 [tilespmem:s3], [sflag:$0x3], $0x80, s6, s28, $0xb8;
	[tilespmem:$0x1F600] =	vst v63  }
0x65: {  	_ =	swait.ge [sflag:s22], $0x4000  }
0x66: {  	[sflag:s22] =	ssyncset.done $0x0  }
0x67: {  	[sflag:s22] =	ssyncadd.s32 $0xFFFFC000  }
0x68: {  	_ =	swait.ge [sflag:s25], $0x80  }
0x69: {  	[sflag:s25] =	ssyncset.done $0x0  }
0x6a: {  	[sflag:s25] =	ssyncadd.s32 $0xFFFFFF80  }
0x6b: {  	_ =	swait.ge [sflag:s26], $0x4000  }
0x6c: {  	[sflag:s26] =	ssyncset.done $0x0  }
0x6d: {  	s3 =	simm.s32 $0x13900;
	s6 =	simm.s32 $0x17980;
	[sflag:s26] =	ssyncadd.s32 $0xFFFFC000  }
0x6e: {  	[spmem:s1] =	stream.indirect.scatter.add.f32 [tilespmem:s6], [sflag:$0x3], $0x80, s3, s28, $0xb8;
	[tilespmem:$0x1F600] =	vst v63  }
0x6f: {  	_ =	swait.ge [sflag:s22], $0x4000  }
0x70: {  	[sflag:s22] =	ssyncset.done $0x0  }
0x71: {  	[sflag:s22] =	ssyncadd.s32 $0xFFFFC000  }
0x72: {  	[tilespmem:s31], [sflag:$0x3] =	stream.linear.gather [hbm4b:s14+s2], $0x10, $0x38;
	[tilespmem:$0x1F600] =	vst v63  }
0x73: {  	_ =	swait.ge [sflag:s22], $0x10  }
0x74: {  	[sflag:s22] =	ssyncset.done $0x0  }
0x75: {  	[sflag:s22] =	ssyncadd.s32 $0xFFFFFFF0  }
0x76: {  	[tilespmem:s0], [sflag:$0x3] =	stream.linear.gather [hbm4b:s15+s2], $0x800, $0x38;
	[tilespmem:$0x1F600] =	vst v63  }
0x77: {  	_ =	swait.ge [sflag:s22], $0x800  }
0x78: {  	[sflag:s22] =	ssyncset.done $0x0  }
0x79: {  	s19 =	simm.s32 $0x10;
	[sflag:s22] =	ssyncadd.s32 $0xFFFFF800  }
0x7a: {  	[spmem:s1] =	stream.indirect.scatter.add.f32 [tilespmem:s0], [sflag:$0x3], $0x80, s31, s19, $0xb8;
	[tilespmem:$0x1F600] =	vst v63  }
0x7b: {  	_ =	swait.ge [sflag:s22], $0x800  }
0x7c: {  	s20 =	stileid.u32;
	[sflag:s22] =	ssyncset.done $0x0  }
0x7d: {  	s3 =	sshll.u32 s20, $0x6;
	[sflag:s22] =	ssyncadd.s32 $0xFFFFF800  }
0x7e: {  	s24 =	sshrl.u32 s5, $0x3;
	s3 =	sor.u32 $0x1C03, s3;
	[bflag:$0x0] =	sbarrier.arrive $0xFFFF  }
0x7f: {  	[hbm:s16], [sflag:s3] =	dma.local [spmem:s24], $0x2700  }
0x80: {  	_ =	swait.ge [sflag:s22], $0x2700  }
0x81: {  	s23 =	sadd.s32 $0x1, s23;
	[sflag:s22] =	ssyncset.done $0x0  }
0x82: {  	p1 =	sne.s32 s23, s18;
	s6 =	sshrl.u32 @!p0 s11, $0x3;
	[sflag:s22] =	ssyncadd.s32 $0xFFFFD900  }
0x83: {  	[hbm:s17], [sflag:s3] =	dma.local @!p0 [spmem:s6], $0x100  }
.Ltmp2:
0x84: {  	_ = 	snop;
	(pc) =	sbr.rel @p1 .LBB2_1-.Ltmp2, $4  }
0x85: {  	s3 =	simm.s32 @!p0 $0x3  }
0x86: {  	_ =	swait.ge @!p0 [sflag:s3], $0x100  }
0x87: {  	[sflag:s3] =	ssyncset.done @!p0 $0x0  }
0x88: {  	[sflag:s3] =	ssyncadd.s32 @!p0 $0xFFFFFF00  }
0x89: {  	_ =	sfence.sel $0x180000  }
0x8a: {  	[bflag:$0x0] =	sbarrier.arrive $0xFFFF  }
0x8b: {  	_ =	strace $0x9000004A  }
0x8c: {  	[bflag:$0x2] =	sbarrier.arrive $0xFFFF  }
0x8d: {  	s0 =	rddreg [dreg:$0x3]  }
0x8e: {  	s0 =	sadd.s32 @!p0 $0x100000, s0  }
0x8f: {  	[sflag:s0] =	ssyncadd.tile.s32 @!p0 $0x1;
	_ =	shalt  }
.Lfunc_end2:
_tile_overlayer_lowered:
.L_overlay_start_2:
0x90: {  	(tag) =	ssettag $0x2  }
0x91: {  	s0 =	rddreg [dreg:$0x0];
	s2 =	stileid.u32  }
0x92: {  	s1 =	rddreg [dreg:$0x1];
	p0 =	sne.s32 s2, $0x0  }
0x93: {  	s3 =	rddreg [dreg:$0x2];
	[bflag:$0x3] =	sbarrier.arrive $0xFFFF;
	s2 =	simm.s32 @!p0 $0x1C03  }
0x94: {  	[timem:s3], [sflag:s2] =	dma.local @!p0 [hbm:s0], s1  }
0x95: {  	s0 =	simm.s32 @!p0 $0x3  }
0x96: {  	_ =	swait.ge @!p0 [sflag:s0], s1  }
0x97: {  	s1 =	ssub.s32 @!p0 $0x0, s1;
	[sflag:s0] =	ssyncset.done @!p0 $0x0  }
0x98: {  	[sflag:s0] =	ssyncadd.s32 @!p0 s1  }
0x99: {  	[bflag:$0x3] =	sbarrier.arrive $0xFFFF  }
0x9a: {  	_ =	shalt  }

// kernel: kernel.7.cloned.1.call-start
scs
__scs_entry_jumppad:
0x0: {  	(pc) =	sbr.rel $0x88, $3  }
0x1: {  	(tag) =	ssettag $0x0;
	lr =	simm.s32 $0x1  }
0x2: {  	[smem:$0x3F90] =	sst lr;
	_ =	strace $0xD0000000  }
0x3: {  	_ = 	snop  }
0x4: {  	_ = 	snop  }
0x5: {  	_ = 	snop  }
0x6: {  	_ = 	snop  }
0x7: {  	_ = 	snop  }
__scs_overlays_trampoline_lowered:
0x8: {  	[smem:$0x3F9F] =	sst s0  }
0x9: {  	[smem:$0x3FA0] =	sst s1  }
0xa: {  	[smem:$0x3FA1] =	sst s2  }
0xb: {  	[smem:$0x3FA2] =	sst s3  }
0xc: {  	[smem:$0x3FA3] =	sst s4  }
0xd: {  	[smem:$0x3FA4] =	sst s5  }
0xe: {  	[smem:$0x3FA5] =	sst s6  }
0xf: {  	[smem:$0x3FA6] =	sst s7  }
0x10: {  	[smem:$0x3FA7] =	sst s8  }
0x11: {  	[smem:$0x3FA8] =	sst s9;
	s0 =	simm.s32 @!p0 $0x0  }
0x12: {  	s1 =	sld [smem:$0x3F8E];
	s0 =	simm.s32 @p0 $0x1  }
0x13: {  	[smem:$0x3FA9] =	sst s0;
	s0 =	simm.s32 @!p1 $0x0  }
0x14: {  	s2 =	sld [smem:$0x3F8D];
	s0 =	simm.s32 @p1 $0x1  }
0x15: {  	[smem:$0x3FAA] =	sst s0;
	s0 =	simm.s32 @!p2 $0x0  }
0x16: {  	s3 =	sld [smem:$0x3FDB];
	s0 =	simm.s32 @p2 $0x1  }
0x17: {  	s4 =	simm.s32 $0x1BF5;
	[smem:$0x3FAC] =	sst s0  }
0x18: {  	s0 =	sld [smem:$0x3F8F];
	_ =	swait.ge [sflag:s4], $0x0  }
0x19: {  	s7 =	sld [smem:$0x3F90]  }
0x1a: {  	s8 =	sadd.s32 $0xFFFFE003, lr  }
0x1b: {  	s9 =	sadd.s32 $0xFFFFFEF7, lr;
	s5 =	simm.s32 $0xFFFFFFFF;
	p2 =	slt.u32 s8, $0xFFFFF086  }
0x1c: {  	p1 =	slt.u32 s9, $0xF7A;
	s5 =	simm.s32 @!p2 $0x0  }
0x1d: {  	s5 =	simm.s32 @p1 $0x1;
	p0 =	seq.s32 s7, s2  }
0x1e: {  	s7 =	smul.u32 @!p0 $0xF7A, s2;
	p2 =	seq.s32 @!p0 s5, $0x0  }
0x1f: {  	s9 =	smul.u32 $0xF7A, s1;
	s8 =	simm.s32 @!p0 $0x1BF5;
	p2 =	por !p2, p0  }
0x20: {  	[sflag:s8] =	ssyncset.s32 @!p0 $0xFFFFF086;
	s6 =	sadd.s32 @!p0 s3, s7;
	s7 =	simm.s32 @!p0 $0x108  }
0x21: {  	s3 =	sadd.s32 s3, s9;
	s6 =	sadd.s32 @!p0 $0x88, s6;
	s7 =	simm.s32 @p2 $0x1082  }
0x22: {  	[simem:s7], [sflag:s8] =	dma.local @!p0 [hbm:s6], $0xF7A  }
0x23: {  	s9 =	sor.u32 $0xD0000000, s2;
	s6 =	simm.s32 $0x108;
	_ =	swait.ge @!p0 [sflag:s8], $0x0  }
0x24: {  	s3 =	sadd.s32 $0x88, s3;
	s6 =	simm.s32 @!p1 $0x1082;
	[sflag:s4] =	ssyncset.s32 $0xFFFFF086  }
0x25: {  	[simem:s6], [sflag:s4] =	dma.local [hbm:s3], $0xF7A  }
0x26: {  	[smem:$0x3F90] =	sst s1;
	(tag) =	ssettag s2;
	_ =	strace s9  }
0x27: {  	s1 =	sld [smem:$0x3FA0]  }
0x28: {  	s2 =	sld [smem:$0x3FA1]  }
0x29: {  	s4 =	sld [smem:$0x3FA3]  }
0x2a: {  	p0 =	seq.s32 s5, $0x0;
	s5 =	sld [smem:$0x3FA4]  }
0x2b: {  	s6 =	sld [smem:$0x3FA5]  }
0x2c: {  	s7 =	sld [smem:$0x3FA6]  }
0x2d: {  	s3 =	simm.s32 $0x108;
	s8 =	sld [smem:$0x3FA7]  }
0x2e: {  	s3 =	simm.s32 @!p0 $0x1082;
	s9 =	sld [smem:$0x3FA8]  }
0x2f: {  	lr =	sadd.s32 s0, s3;
	s0 =	sld [smem:$0x3F9F]  }
0x30: {  	s3 =	sld [smem:$0x3FA2]  }
0x31: {  	[smem:$0x3FAB] =	sst s10  }
0x32: {  	s10 =	sld [smem:$0x3FA9];
	_ =	sdelay $0x3  }
0x33: {  	p0 =	seq.s32 s10, $0x1;
	s10 =	sld [smem:$0x3FAB];
	_ =	sdelay $0x3  }
0x34: {  	[smem:$0x3FAB] =	sst s10  }
0x35: {  	s10 =	sld [smem:$0x3FAA];
	_ =	sdelay $0x3  }
0x36: {  	p1 =	seq.s32 s10, $0x1;
	s10 =	sld [smem:$0x3FAB];
	_ =	sdelay $0x3  }
0x37: {  	[smem:$0x3FAB] =	sst s10  }
0x38: {  	s10 =	sld [smem:$0x3FAC]  }
0x39: {  	_ = 	snop;
	(pc) =	sbr.ind lr, $3  }
0x3a: {  	_ = 	snop  }
0x3b: {  	_ = 	snop  }
0x3c: {  	p2 =	seq.s32 s10, $0x1;
	s10 =	sld [smem:$0x3FAB]  }
0x3d: {  	_ =	shalt  }
0x3e: {  	_ =	shalt  }
0x3f: {  	_ =	shalt  }
0x40: {  	_ =	shalt  }
0x41: {  	_ =	shalt  }
0x42: {  	_ =	shalt  }
0x43: {  	_ =	shalt  }
0x44: {  	_ =	shalt  }
0x45: {  	_ =	shalt  }
0x46: {  	_ =	shalt  }
0x47: {  	_ =	shalt  }
0x48: {  	_ =	shalt  }
0x49: {  	_ =	shalt  }
0x4a: {  	_ =	shalt  }
0x4b: {  	_ =	shalt  }
0x4c: {  	_ =	shalt  }
0x4d: {  	_ =	shalt  }
0x4e: {  	_ =	shalt  }
0x4f: {  	_ =	shalt  }
0x50: {  	_ =	shalt  }
0x51: {  	_ =	shalt  }
0x52: {  	_ =	shalt  }
0x53: {  	_ =	shalt  }
0x54: {  	_ =	shalt  }
0x55: {  	_ =	shalt  }
0x56: {  	_ =	shalt  }
0x57: {  	_ =	shalt  }
0x58: {  	_ =	shalt  }
0x59: {  	_ =	shalt  }
0x5a: {  	_ =	shalt  }
0x5b: {  	_ =	shalt  }
0x5c: {  	_ =	shalt  }
0x5d: {  	_ =	shalt  }
0x5e: {  	_ =	shalt  }
0x5f: {  	_ =	shalt  }
0x60: {  	_ =	shalt  }
0x61: {  	_ =	shalt  }
0x62: {  	_ =	shalt  }
0x63: {  	_ =	shalt  }
0x64: {  	_ =	shalt  }
0x65: {  	_ =	shalt  }
0x66: {  	_ =	shalt  }
0x67: {  	_ =	shalt  }
0x68: {  	_ =	shalt  }
0x69: {  	_ =	shalt  }
0x6a: {  	_ =	shalt  }
0x6b: {  	_ =	shalt  }
0x6c: {  	_ =	shalt  }
0x6d: {  	_ =	shalt  }
0x6e: {  	_ =	shalt  }
0x6f: {  	_ =	shalt  }
0x70: {  	_ =	shalt  }
0x71: {  	_ =	shalt  }
0x72: {  	_ =	shalt  }
0x73: {  	_ =	shalt  }
0x74: {  	_ =	shalt  }
0x75: {  	_ =	shalt  }
0x76: {  	_ =	shalt  }
0x77: {  	_ =	shalt  }
0x78: {  	_ =	shalt  }
0x79: {  	_ =	shalt  }
0x7a: {  	_ =	shalt  }
0x7b: {  	_ =	shalt  }
0x7c: {  	_ =	shalt  }
0x7d: {  	_ =	shalt  }
0x7e: {  	_ =	shalt  }
0x7f: {  	_ =	shalt  }
0x80: {  	_ =	shalt  }
0x81: {  	_ =	shalt  }
0x82: {  	_ =	shalt  }
0x83: {  	_ =	shalt  }
0x84: {  	_ =	shalt  }
0x85: {  	_ =	shalt  }
0x86: {  	_ =	shalt  }
0x87: {  	_ =	shalt  }
.Lfunc_end0:
.L_simem_size_0:
called_computation_lowered:
.L_overlay_start_0:
0x88: {  	s2 =	sld [smem:$0x3FD9]  }
0x89: {  	s3 =	sld [smem:$0x3FFE];
	_ =	sdelay $0x1  }
0x8a: {  	s1 =	srdreg.scid  }
0x8b: {  	s0 =	sand.u32 $0x1, s1  }
0x8c: {  	s14 =	sshll.u32 s0, $0xA;
	s2 =	sadd.s32 s3, s2  }
0x8d: {  	s2 =	sadd.s32 s2, s14  }
0x8e: {  	[smem:$0x3FB7] =	sst s2  }
0x8f: {  	_ = 	snop  }
0x90: {  	s2 =	sld [smem:$0x3FD0];
	_ =	sdelay $0x2  }
0x91: {  	s4 =	simm.s32 $0xA;
	s5 =	simm.s32 $0x10;
	s15 =	sld [smem:$0x3FC5]  }
0x92: {  	[smem:s5], [sflag:s4] =	dma.local [hbm:s2], $0x1  }
0x93: {  	_ =	swait.eq [sflag:s4], $0x1  }
0x94: {  	[sflag:s4] =	ssyncset.done $0x0  }
0x95: {  	s16 =	sld [smem:$0x10];
	[sflag:s4] =	ssyncadd.s32 $0xFFFFFFFF  }
0x96: {  	s17 =	sld [smem:$0x11];
	(tm) =	ssettm $0x1  }
0x97: {  	s18 =	sld [smem:$0x3FFB];
	_ =	sdelay $0x3  }
0x98: {  	_ =	strace s18  }
0x99: {  	s5 =	sld [smem:$0x3FFC];
	_ =	sdelay $0x3  }
0x9a: {  	_ =	strace s5  }
0x9b: {  	s5 =	sld [smem:$0x3FFD];
	_ =	sdelay $0x3  }
0x9c: {  	_ =	strace s5  }
0x9d: {  	_ =	strace $0x8FFFFFFF  }
0x9e: {  	s19 =	sld [smem:$0x3FDB];
	_ =	sdelay $0x1  }
0x9f: {  	s6 =	simm.s32 $_scs_section_size  }
0xa0: {  	s7 =	simm.s32 $_size__tile_overlayer_lowered;
	s8 =	simm.s32 $_tile_overlayer_lowered  }
0xa1: {  	s22 =	simm.s32 $0x1BFF;
	s21 =	sshll.u32 s8, $0x1;
	s5 =	sadd.s32 s6, s19  }
0xa2: {  	s9 =	simm.s32 $0x0;
	s20 =	sshll.u32 s7, $0x1;
	s7 =	sadd.s32 s21, s5  }
0xa3: {  	[timem:s9], [sflag:s22] =	dma.local [hbm:s7], s20  }
0xa4: {  	_ =	swait.ge [sflag:s22], s20  }
0xa5: {  	s6 =	ssub.s32 $0x0, s20;
	[sflag:s22] =	ssyncset.done $0x0  }
0xa6: {  	[sflag:s22] =	ssyncadd.s32 s6;
	_ =	sdelay $0x1  }
0xa7: {  	s23 =	simm.s32 $0x1B8B  }
0xa8: {  	_ =	swait.ge [sflag:s23], $0x1  }
0xa9: {  	[sflag:s23] =	ssyncset.done $0x0  }
0xaa: {  	s25 =	simm.s32 $0x1B8E;
	s24 =	sld [smem:$0x3FFE];
	[sflag:s23] =	ssyncadd.s32 $0xFFFFFFFF  }
0xab: {  	s26 =	simm.s32 $execute0_lowered;
	[smem:$0x3FD2] =	sst s25  }
0xac: {  	s7 =	sshll.u32 s26, $0x1;
	_ =	strace $0x80000046;
	[dreg:$0x1] =	wrdreg $0xFFFFFFFF  }
0xad: {  	s28 =	simm.s32 $_size_execute0_lowered;
	s5 =	sadd.s32 s5, s7;
	[dreg:$0x0] =	wrdreg $0x0  }
0xae: {  	s7 =	sshll.u32 s28, $0x1;
	[dreg:$0x2] =	wrdreg s5  }
0xaf: {  	[dreg:$0x3] =	wrdreg s7  }
0xb0: {  	[dreg:$0x4] =	wrdreg $0xC0  }
0xb1: {  	_ =	task [dreg:s9], $0x5FFFF  }
0xb2: {  	[dreg:$0x1] =	wrdreg $0xFFFFFFFF  }
0xb3: {  	[dreg:$0x0] =	wrdreg $0x60  }
0xb4: {  	[dreg:$0x2] =	wrdreg s16  }
0xb5: {  	[dreg:$0x3] =	wrdreg s17  }
0xb6: {  	[dreg:$0x4] =	wrdreg s24  }
0xb7: {  	[dreg:$0x5] =	wrdreg s15  }
0xb8: {  	[dreg:$0x6] =	wrdreg $0x9  }
0xb9: {  	_ =	task.clear_ibuf [dreg:s9], $0x7FFFF;
	_ =	strace $0x90000046  }
0xba: {  	s29 =	simm.s32 $0x9;
	_ =	strace $0x80000048  }
0xbb: {  	_ =	swait.ge [sflag:s29], $0x1  }
0xbc: {  	[sflag:s29] =	ssyncadd.s32 $0xFFFFFFFF  }
0xbd: {  	_ =	strace $0x90000048  }
0xbe: {  	_ =	sfence  }
0xbf: {  	s30 =	sld [smem:$0x0];
	_ =	sdelay $0x2  }
0xc0: {  	s31 =	sshll.u32 s1, $0xD;
	s1 =	sshrl.u32 s1, $0x2  }
0xc1: {  	s3 =	sand.u32 $0x4000, s31;
	s1 =	sadd.s32 s1, s30  }
0xc2: {  	s0 =	sor.u32 s3, s0;
	s1 =	sshll.u32 s1, $0x11  }
0xc3: {  	s0 =	sor.u32 s1, s0  }
0xc4: {  	s0 =	sadd.s32 $0x8F2B, s0  }
0xc5: {  	[sflag:s0] =	ssyncadd.remote.s32 $0x1  }
0xc6: {  	_ =	sfence.sel $0xFFFF  }
0xc7: {  	[dreg:$0x0] =	wrdreg $0xFFFFFFFF;
	(pc) =	sbr.abs _section_cstart, $3  }
0xc8: {  	[dreg:$0x1] =	wrdreg $0xFFFFFFFF  }
0xc9: {  	_ =	task.clear_ibuf [dreg:s9], $0x2FFFF;
	_ =	strace $0x9FFFFFFF  }
0xca: {  	(tm) =	ssettm $0x7FFFFFFF  }
0xcb: {  	_ =	shalt  }
tec
execute0_lowered:
.L_overlay_start_1:
0x0: {  	(tag) =	ssettag $0x1  }
0x1: {  	s1 =	rddreg [dreg:$0x0]  }
0x2: {  	s2 =	rddreg [dreg:$0x1]  }
0x3: {  	s0 =	rddreg [dreg:$0x2];
	s3 =	srdreg.scid  }
0x4: {  	s7 =	stileid.u32;
	s5 =	simm.s32 $0x0;
	s14 =	simm.s32 $0x3  }
0x5: {  	s15 =	simm.s32 $0x2780;
	s16 =	simm.s32 $0x7680;
	s19 =	simm.s32 $0x1  }
0x6: {  	s20 =	simm.s32 $0x2;
	s21 =	simm.s32 $0x10;
	s23 =	simm.s32 $0x19E00  }
0x7: {  	s24 =	simm.s32 $0x4E80;
	s25 =	simm.s32 $0x1A600;
	s28 =	simm.s32 $0x80  }
0x8: {  	s29 =	simm.s32 $0x0;
	s3 =	sand.u32 $0x1, s3;
	s4 =	sshll.u32 s7, $0x1  }
0x9: {  	[smem:$0x7FF] =	sst s5;
	s13 =	sadd.s32 $0x21A00, s0;
	s9 =	smul.u32 $0x271000, s7  }
0xa: {  	s4 =	sor.u32 s3, s4;
	s26 =	ssub.s32 $0x2, s3;
	s3 =	smul.u32 $0x138800, s3  }
0xb: {  	s12 =	sadd.s32 $0x503A00, s0;
	s6 =	smul.u32 $0x4E2, s4;
	s30 =	sshrl.u32 s26, $0x1  }
0xc: {  	_ =	strace $0x80000047;
	s4 =	smul.u32 $0x138800, s4;
	s11 =	ssub.s32 s26, s30  }
.Ltmp0:
0xd: {  	s3 =	sadd.s32 s3, s9;
	s26 =	simm.s32 $0x4F00;
	(pc) =	sbr.rel .LBB2_1-.Ltmp0, $4  }
0xe: {  	s0 =	sadd.s32 s6, s0;
	s4 =	sshrl.u32 s4, $0x3;
	s31 =	sshrl.u32 s3, $0x3  }
0xf: {  	s11 =	smax.u32 s11, $0x1;
	s6 =	sadd.s32 $0x4000, s0;
	s4 =	sadd.s32 $0x27000, s4  }
0x10: {  	s7 =	sadd.s32 $0xDE00, s0;
	s10 =	sadd.s32 $0x17C00, s0;
	s8 =	sadd.s32 s13, s4  }
0x11: {  	s9 =	sadd.s32 s12, s4;
	s12 =	sadd.s32 s31, s12;
	s13 =	sadd.s32 s31, s13  }
.LBB2_6:
0x12: {  	_ =	swait.ge [sflag:s20], $0x4000  }
0x13: {  	[sflag:s20] =	ssyncset.done $0x0  }
0x14: {  	[sflag:s20] =	ssyncadd.s32 $0xFFFFC000  }
0x15: {  	_ =	swait.ge [sflag:s20], $0x4000  }
0x16: {  	[sflag:s20] =	ssyncset.done $0x0  }
0x17: {  	s0 =	simm.s32 $0x2700;
	[sflag:s20] =	ssyncadd.s32 $0xFFFFC000  }
0x18: {  	[tilespmem:s23], [sflag:$0x1] =	stream.indirect.gather [hbm4b:s1+s21], $0x80, s0, s21, $0xb8;
	[tilespmem:$0x1AE00] =	vst v63  }
0x19: {  	_ = 	snop  }
0x1a: {  	[tilespmem:s25], [sflag:$0x1] =	stream.indirect.gather [hbm4b:s2+s21], $0x80, s24, s21, $0xb8;
	[tilespmem:$0x1AE00] =	vst v63  }
0x1b: {  	_ =	swait.ge [sflag:s19], $0x800  }
0x1c: {  	[sflag:s19] =	ssyncset.done $0x0  }
0x1d: {  	[sflag:s19] =	ssyncadd.s32 $0xFFFFF800  }
0x1e: {  	_ =	swait.ge [sflag:s19], $0x800  }
0x1f: {  	[sflag:s19] =	ssyncset.done $0x0  }
0x20: {  	[sflag:s19] =	ssyncadd.s32 $0xFFFFF800  }
0x21: {  	v0 =	vld [tilespmem:$0x2700];
	_ =	sdelay $0x7  }
0x22: {  	v0 =	vld.idx.msk [tilespmem:v0+s16+$0x0], $0xffff;
	_ =	sdelay $0x4  }
0x23: {  	[tilespmem:$0x7600] =	vst v0  }
0x24: {  	[hbm4b:s8+s5] =	stream.linear.scatter [tilespmem:s23], [sflag:$0x3], $0x800, $0x38;
	[tilespmem:$0x1AE00] =	vst v63  }
0x25: {  	_ =	swait.ge [sflag:s14], $0x800  }
0x26: {  	[sflag:s14] =	ssyncset.done $0x0  }
0x27: {  	[sflag:s14] =	ssyncadd.s32 $0xFFFFF800  }
0x28: {  	[hbm4b:s9+s5] =	stream.linear.scatter [tilespmem:s25], [sflag:$0x3], $0x800, $0x38;
	[tilespmem:$0x1AE00] =	vst v63  }
0x29: {  	s29 =	sadd.s32 $0x1, s29;
	_ =	swait.ge [sflag:s14], $0x800  }
0x2a: {  	p0 =	sne.s32 s29, s11;
	[sflag:s14] =	ssyncset.done $0x0  }
.Ltmp1:
0x2b: {  	[sflag:s14] =	ssyncadd.s32 $0xFFFFF800;
	(pc) =	sbr.rel @!p0 .LBB2_7-.Ltmp1, $4  }
0x2c: {  	[hbm4b:s10+s5] =	stream.linear.scatter [tilespmem:s26], [sflag:$0x3], $0x2710, $0x38;
	[tilespmem:$0x1AE00] =	vst v63  }
0x2d: {  	_ =	swait.ge [sflag:s14], $0x2710  }
0x2e: {  	[sflag:s14] =	ssyncset.done $0x0  }
0x2f: {  	[sflag:s14] =	ssyncadd.s32 $0xFFFFD8F0  }
.LBB2_1:
0x30: {  	[tilespmem:s5], [sflag:$0x3] =	stream.linear.gather [hbm4b:s6+s5], $0x2710, $0x38;
	[tilespmem:$0x1AE00] =	vst v63  }
0x31: {  	_ =	swait.ge [sflag:s14], $0x2710  }
0x32: {  	[sflag:s14] =	ssyncset.done $0x0  }
0x33: {  	[sflag:s14] =	ssyncadd.s32 $0xFFFFD8F0  }
0x34: {  	[tilespmem:s15], [sflag:$0x3] =	stream.linear.gather [hbm4b:s7+s5], $0x2710, $0x38;
	[tilespmem:$0x1AE00] =	vst v63  }
0x35: {  	_ =	swait.ge [sflag:s14], $0x2710  }
0x36: {  	[sflag:s14] =	ssyncset.done $0x0  }
0x37: {  	[sflag:s14] =	ssyncadd.s32 $0xFFFFD8F0  }
0x38: {  	s0 =	rddreg [dreg:$0x3]  }
0x39: {  	[tilespmem:s16], [sflag:$0x3] =	stream.linear.gather [hbm4b:s0+s5], $0x2780, $0x38;
	[tilespmem:$0x1AE00] =	vst v63  }
0x3a: {  	s18 =	simm.s32 $0x9E00;
	_ =	swait.ge [sflag:s14], $0x2780  }
.Ltmp2:
0x3b: {  	s22 =	simm.s32 $0x11E00;
	[sflag:s14] =	ssyncset.done $0x0;
	(pc) =	sbr.rel .LBB2_2-.Ltmp2, $4  }
0x3c: {  	s30 =	simm.s32 $0x2800;
	s31 =	simm.s32 $0x80;
	[sflag:s14] =	ssyncadd.s32 $0xFFFFD880  }
0x3d: {  	[tilespmem:s18], [sflag:$0x1] =	stream.indirect.gather [hbm4b:s1+s28], $0x80, s5, s28, $0xb8;
	[tilespmem:$0x1AE00] =	vst v63  }
0x3e: {  	s3 =	simm.s32 $0x0;
	s4 =	simm.s32 $0x0;
	s18 =	simm.s32 $0x0  }
0x3f: {  	[tilespmem:s22], [sflag:$0x1] =	stream.indirect.gather [hbm4b:s2+s28], $0x80, s15, s28, $0xb8;
	[tilespmem:$0x1AE00] =	vst v63  }
.LBB2_4:
0x40: {  	s17 =	sand.u32 $0x4000, s4  }
0x41: {  	s0 =	sxor.u32 $0x4000, s17  }
0x42: {  	s22 =	sor.u32 $0x9E00, s0  }
0x43: {  	[tilespmem:s22], [sflag:$0x1] =	stream.indirect.gather [hbm4b:s1+s28], $0x80, s31, s28, $0xb8;
	[tilespmem:$0x1AE00] =	vst v63  }
0x44: {  	s0 =	sor.u32 $0x11E00, s0  }
0x45: {  	[tilespmem:s0], [sflag:$0x1] =	stream.indirect.gather [hbm4b:s2+s28], $0x80, s30, s28, $0xb8;
	[tilespmem:$0x1AE00] =	vst v63  }
0x46: {  	s0 =	smov.u32 s18  }
.LBB2_5:
0x47: {  	v0 =	vld [tilespmem:s0+$0x0];
	_ =	sdelay $0x7  }
0x48: {  	v0 =	vld.idx.msk [tilespmem:v0+s16+$0x0], $0xffff;
	_ =	sdelay $0x4  }
0x49: {  	s22 =	sor.u32 $0x10, s0;
	[tilespmem:s0+$0x4F00] =	vst v0  }
0x4a: {  	v0 =	vld [tilespmem:s22+$0x0];
	_ =	sdelay $0x7  }
0x4b: {  	v0 =	vld.idx.msk [tilespmem:v0+s16+$0x0], $0xffff;
	_ =	sdelay $0x4  }
0x4c: {  	s22 =	sor.u32 $0x20, s0;
	[tilespmem:s0+$0x4F10] =	vst v0  }
0x4d: {  	v0 =	vld [tilespmem:s22+$0x0];
	_ =	sdelay $0x7  }
0x4e: {  	v0 =	vld.idx.msk [tilespmem:v0+s16+$0x0], $0xffff;
	_ =	sdelay $0x4  }
0x4f: {  	s22 =	sor.u32 $0x30, s0;
	[tilespmem:s0+$0x4F20] =	vst v0  }
0x50: {  	v0 =	vld [tilespmem:s22+$0x0];
	_ =	sdelay $0x7  }
0x51: {  	v0 =	vld.idx.msk [tilespmem:v0+s16+$0x0], $0xffff;
	_ =	sdelay $0x4  }
0x52: {  	s22 =	sor.u32 $0x40, s0;
	[tilespmem:s0+$0x4F30] =	vst v0  }
0x53: {  	v0 =	vld [tilespmem:s22+$0x0];
	_ =	sdelay $0x7  }
0x54: {  	v0 =	vld.idx.msk [tilespmem:v0+s16+$0x0], $0xffff;
	_ =	sdelay $0x4  }
0x55: {  	s22 =	sor.u32 $0x50, s0;
	[tilespmem:s0+$0x4F40] =	vst v0  }
0x56: {  	v0 =	vld [tilespmem:s22+$0x0];
	_ =	sdelay $0x7  }
0x57: {  	v0 =	vld.idx.msk [tilespmem:v0+s16+$0x0], $0xffff;
	_ =	sdelay $0x4  }
0x58: {  	s22 =	sor.u32 $0x60, s0;
	[tilespmem:s0+$0x4F50] =	vst v0  }
0x59: {  	v0 =	vld [tilespmem:s22+$0x0];
	_ =	sdelay $0x7  }
0x5a: {  	v0 =	vld.idx.msk [tilespmem:v0+s16+$0x0], $0xffff;
	_ =	sdelay $0x4  }
0x5b: {  	s22 =	sor.u32 $0x70, s0;
	[tilespmem:s0+$0x4F60] =	vst v0  }
0x5c: {  	v0 =	vld [tilespmem:s22+$0x0];
	_ =	sdelay $0x7  }
0x5d: {  	v0 =	vld.idx.msk [tilespmem:v0+s16+$0x0], $0xffff;
	_ =	sdelay $0x4  }
0x5e: {  	s22 =	sadd.s32 s3, s13;
	[tilespmem:s0+$0x4F70] =	vst v0;
	s0 =	sadd.s32 $0x9E00, s17  }
0x5f: {  	[hbm4b:s22+s5] =	stream.linear.scatter [tilespmem:s0], [sflag:$0x2], $0x4000, $0x38;
	[tilespmem:$0x1AE00] =	vst v63  }
0x60: {  	s22 =	sadd.s32 s3, s12;
	s3 =	sadd.s32 $0x800, s3  }
0x61: {  	p0 =	sne.s32 s3, $0x27000  }
.Ltmp3:
0x62: {  	_ = 	snop;
	(pc) =	sbr.rel @!p0 .LBB2_6-.Ltmp3, $4  }
0x63: {  	_ = 	snop  }
0x64: {  	s4 =	sadd.s32 $0x4000, s4;
	s18 =	sadd.s32 $0x80, s18  }
0x65: {  	s31 =	sadd.s32 $0x80, s31;
	s30 =	sadd.s32 $0x80, s30;
	s17 =	sadd.s32 $0x11E00, s17  }
0x66: {  	[hbm4b:s22+s5] =	stream.linear.scatter [tilespmem:s17], [sflag:$0x2], $0x4000, $0x38;
	[tilespmem:$0x1AE00] =	vst v63  }
.LBB2_2:
0x67: {  	_ =	swait.ge [sflag:s19], $0x4000  }
0x68: {  	[sflag:s19] =	ssyncset.done $0x0  }
0x69: {  	[sflag:s19] =	ssyncadd.s32 $0xFFFFC000  }
0x6a: {  	_ =	swait.ge [sflag:s19], $0x4000  }
0x6b: {  	p0 =	seq.s32 s3, $0x0;
	[sflag:s19] =	ssyncset.done $0x0  }
0x6c: {  	s0 =	simm.s32 @!p0 $0x2;
	p1 =	seq.s32 @!p0 s3, $0x26800;
	[sflag:s19] =	ssyncadd.s32 $0xFFFFC000  }
0x6d: {  	p1 =	por p0, !p1;
	_ =	swait.ge @!p0 [sflag:s0], $0x4000  }
.Ltmp4:
0x6e: {  	[sflag:s0] =	ssyncset.done @!p0 $0x0;
	(pc) =	sbr.rel @p1 .LBB2_4-.Ltmp4, $4  }
0x6f: {  	[sflag:s0] =	ssyncadd.s32 @!p0 $0xFFFFC000  }
0x70: {  	_ =	swait.ge @!p0 [sflag:s0], $0x4000  }
0x71: {  	[sflag:s0] =	ssyncset.done @!p0 $0x0  }
0x72: {  	[sflag:s0] =	ssyncadd.s32 @!p0 $0xFFFFC000  }
.Ltmp5:
0x73: {  	(pc) =	sbr.rel .LBB2_5-.Ltmp5, $2  }
0x74: {  	_ =	sdelay $0x2  }
0x75: {  	s0 =	simm.s32 @!p0 $0x2680;
	s17 =	simm.s32 @!p0 $0x4000  }
.LBB2_7:
0x76: {  	_ =	sfence.sel $0x180000  }
0x77: {  	[bflag:$0x0] =	sbarrier.arrive $0xFFFF  }
0x78: {  	_ =	strace $0x90000047  }
0x79: {  	s0 =	stileid.u32;
	[bflag:$0x2] =	sbarrier.arrive $0xFFFF  }
0x7a: {  	p0 =	sne.s32 s0, $0x0;
	s0 =	rddreg [dreg:$0x4]  }
0x7b: {  	s0 =	sadd.s32 @!p0 $0x100000, s0  }
0x7c: {  	[sflag:s0] =	ssyncadd.tile.s32 @!p0 $0x1;
	_ =	shalt  }
.Lfunc_end2:
_tile_overlayer_lowered:
.L_overlay_start_2:
0x7d: {  	(tag) =	ssettag $0x2  }
0x7e: {  	s0 =	rddreg [dreg:$0x0];
	s2 =	stileid.u32  }
0x7f: {  	s1 =	rddreg [dreg:$0x1];
	p0 =	sne.s32 s2, $0x0  }
0x80: {  	s3 =	rddreg [dreg:$0x2];
	[bflag:$0x3] =	sbarrier.arrive $0xFFFF;
	s2 =	simm.s32 @!p0 $0x1C03  }
0x81: {  	[timem:s3], [sflag:s2] =	dma.local @!p0 [hbm:s0], s1  }
0x82: {  	s0 =	simm.s32 @!p0 $0x3  }
0x83: {  	_ =	swait.ge @!p0 [sflag:s0], s1  }
0x84: {  	s1 =	ssub.s32 @!p0 $0x0, s1;
	[sflag:s0] =	ssyncset.done @!p0 $0x0  }
0x85: {  	[sflag:s0] =	ssyncadd.s32 @!p0 s1  }
0x86: {  	[bflag:$0x3] =	sbarrier.arrive $0xFFFF  }
0x87: {  	_ =	shalt  }

</sc_bundles>
